<compile_context>
chip_gen: v7x
topology: tpu7x:2x2x1
jax: 0.10.2.dev20260603
libtpu: 0.0.44.dev20260713+nightly
codegen_flags: <defaults>
</compile_context>

<pallas_src>
import functools

import jax
import jax.numpy as jnp
from jax import lax
from jax.experimental import pallas as pl
from jax.experimental.pallas import tpu as pltpu
from jax.experimental.pallas import tpu_sc as plsc

_N = 10000
_E = 320000
_D = 128
_NUM_HOPS = 3
_NOISE_SCALE = 0.1

_NC = 2
_NS = 16
_NW = _NC * _NS
_CHUNK = 128
_EPT = _E // _NW
_CHUNKS = -(-_EPT // _CHUNK)
_EPT_PAD = _CHUNKS * _CHUNK
_N_PAD = 10112
_RPT = _N_PAD // _NS

_ISLAB = _CHUNKS // 2

_BLK = _N_PAD // 16


def _sc_agg(h, srcp, dstp, init):
    mesh = plsc.VectorSubcoreMesh(core_axis_name="c", subcore_axis_name="s")

    @functools.partial(
        pl.kernel,
        out_type=jax.ShapeDtypeStruct((_NC, _N_PAD, _D), jnp.float32),
        mesh=mesh,
        scratch_types=[
            pltpu.VMEM_SHARED((_N_PAD, _D), jnp.float32),
            pltpu.VMEM((_CHUNKS, _CHUNK), jnp.int32),
            pltpu.VMEM((_CHUNKS, _CHUNK), jnp.int32),
            pltpu.VMEM((_CHUNK, _D), jnp.float32),
            pltpu.SemaphoreType.DMA,
        ],
    )
    def body(h_hbm, src_hbm, dst_hbm, init_hbm, out_hbm, acc, src_v, dst_v,
             rows0, sem0):
        c = lax.axis_index("c")
        s = lax.axis_index("s")
        w = s * _NC + c
        base = s * _RPT
        pltpu.sync_copy(init_hbm.at[c, pl.ds(base, _RPT)], acc.at[pl.ds(base, _RPT)])
        plsc.subcore_barrier()

        pltpu.sync_copy(src_hbm.at[w], src_v)
        pltpu.sync_copy(dst_hbm.at[w], dst_v)

        def chunk_body(j, carry):
            pltpu.async_copy(h_hbm.at[src_v.at[j]], rows0, sem0).wait()
            pltpu.sync_copy(rows0, acc.at[dst_v.at[j]], add=True)
            return carry

        lax.fori_loop(0, _CHUNKS, chunk_body, 0)
        plsc.subcore_barrier()
        pltpu.sync_copy(acc.at[pl.ds(base, _RPT)], out_hbm.at[c, pl.ds(base, _RPT)])

    return body(h, srcp, dstp, init)


def _norm_rows(y):
    norm = jnp.sqrt(jnp.sum(y * y, axis=1, keepdims=True))
    return y / jnp.maximum(norm, 1e-12)


def _tc_norm(x):

    def body(x_ref, o_ref):
        o_ref[...] = _norm_rows(x_ref[...])

    return pl.pallas_call(
        body,
        grid=(_N_PAD // _BLK,),
        in_specs=[pl.BlockSpec((_BLK, _D), lambda i: (i, 0))],
        out_specs=pl.BlockSpec((_BLK, _D), lambda i: (i, 0)),
        out_shape=jax.ShapeDtypeStruct((_N_PAD, _D), jnp.float32),
    )(x)


def _tc_combine(p):

    def body(p_ref, o_ref):
        o_ref[...] = _norm_rows(p_ref[0] + p_ref[1])

    return pl.pallas_call(
        body,
        grid=(_N_PAD // _BLK,),
        in_specs=[pl.BlockSpec((_NC, _BLK, _D), lambda i: (0, i, 0))],
        out_specs=pl.BlockSpec((_BLK, _D), lambda i: (i, 0)),
        out_shape=jax.ShapeDtypeStruct((_N_PAD, _D), jnp.float32),
    )(p)


def kernel(x, edge_index):
    dst = edge_index[0]
    src = edge_index[1]
    pad = _EPT_PAD - _EPT
    srcp = jnp.concatenate(
        [src.reshape(_NW, _EPT),
         jnp.full((_NW, pad), _N, jnp.int32)], axis=1).reshape(
        _NW, _CHUNKS, _CHUNK)
    dummy_dst = ((jnp.arange(pad, dtype=jnp.int32)[None, :] * 41
                  + 313 * jnp.arange(_NW, dtype=jnp.int32)[:, None]) % _N)
    dstp = jnp.concatenate(
        [dst.reshape(_NW, _EPT), dummy_dst], axis=1).reshape(
        _NW, _CHUNKS, _CHUNK)

    noise_key = jax.random.key(42)
    zeros_half = jnp.zeros((1, _N_PAD, _D), jnp.float32)
    x_ext = jnp.pad(x, ((0, _N_PAD - _N), (0, 0)))
    outs = [_tc_norm(x_ext)]
    for k in range(_NUM_HOPS):
        noise = jax.random.normal(
            jax.random.fold_in(noise_key, k), (_N, _D), jnp.float32) * _NOISE_SCALE
        init = jnp.concatenate(
            [jnp.pad(noise, ((0, _N_PAD - _N), (0, 0)))[None], zeros_half], axis=0)
        p = _sc_agg(outs[k], srcp, dstp, init)
        outs.append(_tc_combine(p))
    return jnp.stack([o[:_N] for o in outs])

# --- scband reference (transcript-rebuilt; emitter-appended) ---
"""Pipeline reference for scband-private-multihop-aggregation-27986006901090 (READ-ONLY COPY).

The authoritative reference and input builder live on the scoring server;
editing this copy changes nothing except your own understanding.
"""

import jax, jax.numpy as jnp
import numpy as np

N = 10000
E = 320000
D = 128
NUM_HOPS = 3
NOISE_SCALE = 0.1


def _l2_normalize(x, eps=1e-12):
    # torch.nn.functional.normalize(x, p=2, dim=1): x / max(||x||_2, eps)
    norm = jnp.linalg.norm(x, ord=2, axis=1, keepdims=True)
    return x / jnp.maximum(norm, eps)


def setup_inputs(seed: int = 0) -> dict:
    key = jax.random.key(seed)
    k1, k2 = jax.random.split(key)
    x = jax.random.normal(k1, (N, D), dtype=jnp.float32)
    edge_index = jax.random.randint(k2, (2, E), 0, N, dtype=jnp.int32)
    return {"x": x, "edge_index": edge_index}


def reference(x, edge_index):
    # A = sparse_coo(edge_index, ones, (N, N)); torch.mm(A, h):
    #   out[i] = sum over edges e with edge_index[0, e] == i of h[edge_index[1, e]]
    # Duplicate edges are summed by coalesce(), which scatter-add reproduces.
    dst = edge_index[0]
    src = edge_index[1]
    n = x.shape[0]
    out = [_l2_normalize(x)]
    noise_key = jax.random.key(42)
    for k in range(NUM_HOPS):
        noise = jax.random.normal(jax.random.fold_in(noise_key, k), x.shape, dtype=x.dtype) * NOISE_SCALE
        gathered = jnp.take(out[k], src, axis=0)
        x_k = jnp.zeros((n, x.shape[1]), dtype=x.dtype).at[dst].add(gathered)
        x_k = x_k + noise
        x_k = _l2_normalize(x_k)
        out.append(x_k)
    return jnp.stack(out)

if __name__ == "__main__":
    import jax
    _d = setup_inputs()
    print(jax.jit(kernel)(*tuple(_d.values())))

</pallas_src>

<mosaic_0001>
#map = affine_map<(d0, d1) -> (0, 0)>
#map1 = affine_map<(d0, d1) -> (0, 0, 0)>
module attributes {stable_mosaic.version = 14 : i64} {
  func.func @body(%arg0: i32, %arg1: i32, %arg2: memref<10112x128xf32, #tpu.memory_space<hbm>>, %arg3: memref<32x79x128xi32, #tpu.memory_space<hbm>>, %arg4: memref<32x79x128xi32, #tpu.memory_space<hbm>>, %arg5: memref<2x10112x128xf32, #tpu.memory_space<hbm>>, %arg6: memref<2x10112x128xf32, #tpu.memory_space<hbm>>, %arg7: memref<10112x128xf32, #tpu.memory_space<vmem_shared>>, %arg8: memref<79x128xi32, #tpu.memory_space<vmem>>, %arg9: memref<79x128xi32, #tpu.memory_space<vmem>>, %arg10: memref<128x128xf32, #tpu.memory_space<vmem>>, %arg11: memref<!tpu.dma_semaphore, #tpu.memory_space<semaphore_mem>>) attributes {dimension_semantics = [#tpu.dimension_semantics<core_parallel>, #tpu.dimension_semantics<subcore_parallel>], iteration_bounds = array<i64: 2, 16>, scalar_prefetch = 0 : i64, scratch_operands = 5 : i64, tpu.core_type = #tpu.core_type<sc_vector_subcore>, window_params = [{transform_indices = #map}, {transform_indices = #map1}, {transform_indices = #map1}, {transform_indices = #map1}, {transform_indices = #map1}]} {
    %mul3A = arith.constant 2 : i32
    %mul3A_0 = arith.muli %arg1, %mul3A : i32
    %add3A = arith.addi %mul3A_0, %arg0 : i32
    %mul3A_1 = arith.constant 632 : i32
    %mul3A_2 = arith.muli %arg1, %mul3A_1 : i32
    "tpu.region"() ({
      %run_scoped3A = tpu.sem_alloc : memref<!tpu.dma_semaphore, #tpu.memory_space<semaphore_mem>>
      %dma_start3A = arith.constant 0 : i32
      %dma_start3A_9 = tpu.memref_slice %arg7[%mul3A_2, %dma_start3A] : memref<10112x128xf32, #tpu.memory_space<vmem_shared>> -> memref<632x128xf32, #tpu.memory_space<vmem_shared>>
      %dma_start3A_10 = arith.constant 0 : i32
      %dma_start3A_11 = tpu.memref_slice %arg5[%arg0, %mul3A_2, %dma_start3A_10] : memref<2x10112x128xf32, #tpu.memory_space<hbm>> -> memref<1x632x128xf32, #tpu.memory_space<hbm>>
      %dma_start3A_12 = tpu.memref_squeeze %dma_start3A_11 : memref<1x632x128xf32, #tpu.memory_space<hbm>> -> memref<632x128xf32, #tpu.memory_space<hbm>>
      tpu.enqueue_dma source(%dma_start3A_12 : memref<632x128xf32, #tpu.memory_space<hbm>>) target(%dma_start3A_9 : memref<632x128xf32, #tpu.memory_space<vmem_shared>>) target_semaphore(%run_scoped3A : memref<!tpu.dma_semaphore, #tpu.memory_space<semaphore_mem>>)
      %dma_wait3A = arith.constant 0 : i32
      %dma_wait3A_13 = tpu.memref_slice %arg7[%mul3A_2, %dma_wait3A] : memref<10112x128xf32, #tpu.memory_space<vmem_shared>> -> memref<632x128xf32, #tpu.memory_space<vmem_shared>>
      %dma_wait3A_14 = arith.constant 0 : i32
      %dma_wait3A_15 = tpu.memref_slice %arg5[%arg0, %mul3A_2, %dma_wait3A_14] : memref<2x10112x128xf32, #tpu.memory_space<hbm>> -> memref<1x632x128xf32, #tpu.memory_space<hbm>>
      %dma_wait3A_16 = tpu.memref_squeeze %dma_wait3A_15 : memref<1x632x128xf32, #tpu.memory_space<hbm>> -> memref<632x128xf32, #tpu.memory_space<hbm>>
      tpu.wait_dma2 semaphore(%run_scoped3A : memref<!tpu.dma_semaphore, #tpu.memory_space<semaphore_mem>>) src(%dma_wait3A_16 : memref<632x128xf32, #tpu.memory_space<hbm>>) dst(%dma_wait3A_13 : memref<632x128xf32, #tpu.memory_space<vmem_shared>>)
      tpu.yield
    }) : () -> ()
    %barrier3A = arith.constant 0 : index
    tpu.barrier barrier_id(%barrier3A)
    "tpu.region"() ({
      %run_scoped3A = tpu.sem_alloc : memref<!tpu.dma_semaphore, #tpu.memory_space<semaphore_mem>>
      %dma_start3A = arith.constant 0 : i32
      %dma_start3A_9 = arith.constant 0 : i32
      %dma_start3A_10 = tpu.memref_slice %arg3[%add3A, %dma_start3A, %dma_start3A_9] : memref<32x79x128xi32, #tpu.memory_space<hbm>> -> memref<1x79x128xi32, #tpu.memory_space<hbm>>
      %dma_start3A_11 = tpu.memref_squeeze %dma_start3A_10 : memref<1x79x128xi32, #tpu.memory_space<hbm>> -> memref<79x128xi32, #tpu.memory_space<hbm>>
      %dma_start3A_12 = arith.constant 0 : i32
      %dma_start3A_13 = arith.constant 0 : i32
      %dma_start3A_14 = tpu.memref_slice %arg3[%add3A, %dma_start3A_12, %dma_start3A_13] : memref<32x79x128xi32, #tpu.memory_space<hbm>> -> memref<1x79x128xi32, #tpu.memory_space<hbm>>
      %dma_start3A_15 = tpu.memref_squeeze %dma_start3A_14 : memref<1x79x128xi32, #tpu.memory_space<hbm>> -> memref<79x128xi32, #tpu.memory_space<hbm>>
      tpu.enqueue_dma source(%dma_start3A_15 : memref<79x128xi32, #tpu.memory_space<hbm>>) target(%arg8 : memref<79x128xi32, #tpu.memory_space<vmem>>) target_semaphore(%run_scoped3A : memref<!tpu.dma_semaphore, #tpu.memory_space<semaphore_mem>>)
      %dma_wait3A = arith.constant 0 : i32
      %dma_wait3A_16 = arith.constant 0 : i32
      %dma_wait3A_17 = tpu.memref_slice %arg3[%add3A, %dma_wait3A, %dma_wait3A_16] : memref<32x79x128xi32, #tpu.memory_space<hbm>> -> memref<1x79x128xi32, #tpu.memory_space<hbm>>
      %dma_wait3A_18 = tpu.memref_squeeze %dma_wait3A_17 : memref<1x79x128xi32, #tpu.memory_space<hbm>> -> memref<79x128xi32, #tpu.memory_space<hbm>>
      %dma_wait3A_19 = arith.constant 0 : i32
      %dma_wait3A_20 = arith.constant 0 : i32
      %dma_wait3A_21 = tpu.memref_slice %arg3[%add3A, %dma_wait3A_19, %dma_wait3A_20] : memref<32x79x128xi32, #tpu.memory_space<hbm>> -> memref<1x79x128xi32, #tpu.memory_space<hbm>>
      %dma_wait3A_22 = tpu.memref_squeeze %dma_wait3A_21 : memref<1x79x128xi32, #tpu.memory_space<hbm>> -> memref<79x128xi32, #tpu.memory_space<hbm>>
      tpu.wait_dma2 semaphore(%run_scoped3A : memref<!tpu.dma_semaphore, #tpu.memory_space<semaphore_mem>>) src(%dma_wait3A_22 : memref<79x128xi32, #tpu.memory_space<hbm>>) dst(%arg8 : memref<79x128xi32, #tpu.memory_space<vmem>>)
      tpu.yield
    }) : () -> ()
    "tpu.region"() ({
      %run_scoped3A = tpu.sem_alloc : memref<!tpu.dma_semaphore, #tpu.memory_space<semaphore_mem>>
      %dma_start3A = arith.constant 0 : i32
      %dma_start3A_9 = arith.constant 0 : i32
      %dma_start3A_10 = tpu.memref_slice %arg4[%add3A, %dma_start3A, %dma_start3A_9] : memref<32x79x128xi32, #tpu.memory_space<hbm>> -> memref<1x79x128xi32, #tpu.memory_space<hbm>>
      %dma_start3A_11 = tpu.memref_squeeze %dma_start3A_10 : memref<1x79x128xi32, #tpu.memory_space<hbm>> -> memref<79x128xi32, #tpu.memory_space<hbm>>
      %dma_start3A_12 = arith.constant 0 : i32
      %dma_start3A_13 = arith.constant 0 : i32
      %dma_start3A_14 = tpu.memref_slice %arg4[%add3A, %dma_start3A_12, %dma_start3A_13] : memref<32x79x128xi32, #tpu.memory_space<hbm>> -> memref<1x79x128xi32, #tpu.memory_space<hbm>>
      %dma_start3A_15 = tpu.memref_squeeze %dma_start3A_14 : memref<1x79x128xi32, #tpu.memory_space<hbm>> -> memref<79x128xi32, #tpu.memory_space<hbm>>
      tpu.enqueue_dma source(%dma_start3A_15 : memref<79x128xi32, #tpu.memory_space<hbm>>) target(%arg9 : memref<79x128xi32, #tpu.memory_space<vmem>>) target_semaphore(%run_scoped3A : memref<!tpu.dma_semaphore, #tpu.memory_space<semaphore_mem>>)
      %dma_wait3A = arith.constant 0 : i32
      %dma_wait3A_16 = arith.constant 0 : i32
      %dma_wait3A_17 = tpu.memref_slice %arg4[%add3A, %dma_wait3A, %dma_wait3A_16] : memref<32x79x128xi32, #tpu.memory_space<hbm>> -> memref<1x79x128xi32, #tpu.memory_space<hbm>>
      %dma_wait3A_18 = tpu.memref_squeeze %dma_wait3A_17 : memref<1x79x128xi32, #tpu.memory_space<hbm>> -> memref<79x128xi32, #tpu.memory_space<hbm>>
      %dma_wait3A_19 = arith.constant 0 : i32
      %dma_wait3A_20 = arith.constant 0 : i32
      %dma_wait3A_21 = tpu.memref_slice %arg4[%add3A, %dma_wait3A_19, %dma_wait3A_20] : memref<32x79x128xi32, #tpu.memory_space<hbm>> -> memref<1x79x128xi32, #tpu.memory_space<hbm>>
      %dma_wait3A_22 = tpu.memref_squeeze %dma_wait3A_21 : memref<1x79x128xi32, #tpu.memory_space<hbm>> -> memref<79x128xi32, #tpu.memory_space<hbm>>
      tpu.wait_dma2 semaphore(%run_scoped3A : memref<!tpu.dma_semaphore, #tpu.memory_space<semaphore_mem>>) src(%dma_wait3A_22 : memref<79x128xi32, #tpu.memory_space<hbm>>) dst(%arg9 : memref<79x128xi32, #tpu.memory_space<vmem>>)
      tpu.yield
    }) : () -> ()
    %scan3A = arith.constant 0 : i32
    %scan3A_3 = arith.constant 0 : i32
    %scan3A_4 = arith.constant 79 : i32
    %scan3A_5 = arith.addi %scan3A_3, %scan3A_4 : i32
    %scan3A_6 = arith.constant 1 : i32
    scf.for %scan3A_9 = %scan3A_3 to %scan3A_5 step %scan3A_6  : i32 {
      %dma_start3A = arith.constant 0 : i32
      %dma_start3A_10 = tpu.memref_slice %arg8[%scan3A_9, %dma_start3A] : memref<79x128xi32, #tpu.memory_space<vmem>> -> memref<1x128xi32, #tpu.memory_space<vmem>>
      %dma_start3A_11 = tpu.memref_squeeze %dma_start3A_10 : memref<1x128xi32, #tpu.memory_space<vmem>> -> memref<128xi32, #tpu.memory_space<vmem>>
      %dma_start3A_12 = arith.constant 0 : i32
      %dma_start3A_13 = arith.constant 0 : i32
      %dma_start3A_14 = tpu.memref_slice %arg2[%dma_start3A_12, %dma_start3A_13] : memref<10112x128xf32, #tpu.memory_space<hbm>> -> memref<10112x128xf32, #tpu.memory_space<hbm>>
      tpu.enqueue_indirect_dma source(%dma_start3A_14 : memref<10112x128xf32, #tpu.memory_space<hbm>>) target(%arg10 : memref<128x128xf32, #tpu.memory_space<vmem>>) offsets(%dma_start3A_11 : memref<128xi32, #tpu.memory_space<vmem>>) semaphore(%arg11 : memref<!tpu.dma_semaphore, #tpu.memory_space<semaphore_mem>>)
      %dma_wait3A = arith.constant 0 : i32
      %dma_wait3A_15 = tpu.memref_slice %arg8[%scan3A_9, %dma_wait3A] : memref<79x128xi32, #tpu.memory_space<vmem>> -> memref<1x128xi32, #tpu.memory_space<vmem>>
      %dma_wait3A_16 = tpu.memref_squeeze %dma_wait3A_15 : memref<1x128xi32, #tpu.memory_space<vmem>> -> memref<128xi32, #tpu.memory_space<vmem>>
      %dma_wait3A_17 = arith.constant 0 : i32
      %dma_wait3A_18 = arith.constant 0 : i32
      %dma_wait3A_19 = tpu.memref_slice %arg2[%dma_wait3A_17, %dma_wait3A_18] : memref<10112x128xf32, #tpu.memory_space<hbm>> -> memref<10112x128xf32, #tpu.memory_space<hbm>>
      tpu.wait_indirect_dma semaphore(%arg11 : memref<!tpu.dma_semaphore, #tpu.memory_space<semaphore_mem>>) src(%dma_wait3A_19 : memref<10112x128xf32, #tpu.memory_space<hbm>>) dst(%arg10 : memref<128x128xf32, #tpu.memory_space<vmem>>)
      "tpu.region"() ({
        %run_scoped3A = tpu.sem_alloc : memref<!tpu.dma_semaphore, #tpu.memory_space<semaphore_mem>>
        %dma_start3A_20 = arith.constant 0 : i32
        %dma_start3A_21 = tpu.memref_slice %arg9[%scan3A_9, %dma_start3A_20] : memref<79x128xi32, #tpu.memory_space<vmem>> -> memref<1x128xi32, #tpu.memory_space<vmem>>
        %dma_start3A_22 = tpu.memref_squeeze %dma_start3A_21 : memref<1x128xi32, #tpu.memory_space<vmem>> -> memref<128xi32, #tpu.memory_space<vmem>>
        %dma_start3A_23 = arith.constant 0 : i32
        %dma_start3A_24 = arith.constant 0 : i32
        %dma_start3A_25 = tpu.memref_slice %arg7[%dma_start3A_23, %dma_start3A_24] : memref<10112x128xf32, #tpu.memory_space<vmem_shared>> -> memref<10112x128xf32, #tpu.memory_space<vmem_shared>>
        tpu.enqueue_indirect_dma source(%arg10 : memref<128x128xf32, #tpu.memory_space<vmem>>) target(%dma_start3A_25 : memref<10112x128xf32, #tpu.memory_space<vmem_shared>>) offsets(%dma_start3A_22 : memref<128xi32, #tpu.memory_space<vmem>>) semaphore(%run_scoped3A : memref<!tpu.dma_semaphore, #tpu.memory_space<semaphore_mem>>) {add = true}
        %dma_wait3A_26 = arith.constant 0 : i32
        %dma_wait3A_27 = tpu.memref_slice %arg9[%scan3A_9, %dma_wait3A_26] : memref<79x128xi32, #tpu.memory_space<vmem>> -> memref<1x128xi32, #tpu.memory_space<vmem>>
        %dma_wait3A_28 = tpu.memref_squeeze %dma_wait3A_27 : memref<1x128xi32, #tpu.memory_space<vmem>> -> memref<128xi32, #tpu.memory_space<vmem>>
        %dma_wait3A_29 = arith.constant 0 : i32
        %dma_wait3A_30 = arith.constant 0 : i32
        %dma_wait3A_31 = tpu.memref_slice %arg7[%dma_wait3A_29, %dma_wait3A_30] : memref<10112x128xf32, #tpu.memory_space<vmem_shared>> -> memref<10112x128xf32, #tpu.memory_space<vmem_shared>>
        tpu.wait_indirect_dma semaphore(%run_scoped3A : memref<!tpu.dma_semaphore, #tpu.memory_space<semaphore_mem>>) src(%arg10 : memref<128x128xf32, #tpu.memory_space<vmem>>) dst(%dma_wait3A_31 : memref<10112x128xf32, #tpu.memory_space<vmem_shared>>)
        tpu.yield
      }) : () -> ()
    }
    %scan3A_7 = arith.constant 79 : i32
    %barrier3A_8 = arith.constant 0 : index
    tpu.barrier barrier_id(%barrier3A_8)
    "tpu.region"() ({
      %run_scoped3A = tpu.sem_alloc : memref<!tpu.dma_semaphore, #tpu.memory_space<semaphore_mem>>
      %dma_start3A = arith.constant 0 : i32
      %dma_start3A_9 = tpu.memref_slice %arg6[%arg0, %mul3A_2, %dma_start3A] : memref<2x10112x128xf32, #tpu.memory_space<hbm>> -> memref<1x632x128xf32, #tpu.memory_space<hbm>>
      %dma_start3A_10 = tpu.memref_squeeze %dma_start3A_9 : memref<1x632x128xf32, #tpu.memory_space<hbm>> -> memref<632x128xf32, #tpu.memory_space<hbm>>
      %dma_start3A_11 = arith.constant 0 : i32
      %dma_start3A_12 = tpu.memref_slice %arg7[%mul3A_2, %dma_start3A_11] : memref<10112x128xf32, #tpu.memory_space<vmem_shared>> -> memref<632x128xf32, #tpu.memory_space<vmem_shared>>
      tpu.enqueue_dma source(%dma_start3A_12 : memref<632x128xf32, #tpu.memory_space<vmem_shared>>) target(%dma_start3A_10 : memref<632x128xf32, #tpu.memory_space<hbm>>) target_semaphore(%run_scoped3A : memref<!tpu.dma_semaphore, #tpu.memory_space<semaphore_mem>>)
      %dma_wait3A = arith.constant 0 : i32
      %dma_wait3A_13 = tpu.memref_slice %arg6[%arg0, %mul3A_2, %dma_wait3A] : memref<2x10112x128xf32, #tpu.memory_space<hbm>> -> memref<1x632x128xf32, #tpu.memory_space<hbm>>
      %dma_wait3A_14 = tpu.memref_squeeze %dma_wait3A_13 : memref<1x632x128xf32, #tpu.memory_space<hbm>> -> memref<632x128xf32, #tpu.memory_space<hbm>>
      %dma_wait3A_15 = arith.constant 0 : i32
      %dma_wait3A_16 = tpu.memref_slice %arg7[%mul3A_2, %dma_wait3A_15] : memref<10112x128xf32, #tpu.memory_space<vmem_shared>> -> memref<632x128xf32, #tpu.memory_space<vmem_shared>>
      tpu.wait_dma2 semaphore(%run_scoped3A : memref<!tpu.dma_semaphore, #tpu.memory_space<semaphore_mem>>) src(%dma_wait3A_16 : memref<632x128xf32, #tpu.memory_space<vmem_shared>>) dst(%dma_wait3A_14 : memref<632x128xf32, #tpu.memory_space<hbm>>)
      tpu.yield
    }) : () -> ()
    return
  }
}

#map = affine_map<(d0, d1) -> (0, 0)>
#map1 = affine_map<(d0, d1) -> (0, 0, 0)>
module attributes {stable_mosaic.version = 14 : i64} {
  func.func @body(%arg0: i32, %arg1: i32, %arg2: memref<10112x128xf32, #tpu.memory_space<hbm>>, %arg3: memref<32x79x128xi32, #tpu.memory_space<hbm>>, %arg4: memref<32x79x128xi32, #tpu.memory_space<hbm>>, %arg5: memref<2x10112x128xf32, #tpu.memory_space<hbm>>, %arg6: memref<2x10112x128xf32, #tpu.memory_space<hbm>>, %arg7: memref<10112x128xf32, #tpu.memory_space<vmem_shared>>, %arg8: memref<79x128xi32, #tpu.memory_space<vmem>>, %arg9: memref<79x128xi32, #tpu.memory_space<vmem>>, %arg10: memref<128x128xf32, #tpu.memory_space<vmem>>, %arg11: memref<!tpu.dma_semaphore, #tpu.memory_space<semaphore_mem>>) attributes {dimension_semantics = [#tpu.dimension_semantics<core_parallel>, #tpu.dimension_semantics<subcore_parallel>], iteration_bounds = array<i64: 2, 16>, scalar_prefetch = 0 : i64, scratch_operands = 5 : i64, tpu.core_type = #tpu.core_type<sc_vector_subcore>, window_params = [{transform_indices = #map}, {transform_indices = #map1}, {transform_indices = #map1}, {transform_indices = #map1}, {transform_indices = #map1}]} {
    %mul3A = arith.constant 2 : i32
    %mul3A_0 = arith.muli %arg1, %mul3A : i32
    %add3A = arith.addi %mul3A_0, %arg0 : i32
    %mul3A_1 = arith.constant 632 : i32
    %mul3A_2 = arith.muli %arg1, %mul3A_1 : i32
    "tpu.region"() ({
      %run_scoped3A = tpu.sem_alloc : memref<!tpu.dma_semaphore, #tpu.memory_space<semaphore_mem>>
      %dma_start3A = arith.constant 0 : i32
      %dma_start3A_9 = tpu.memref_slice %arg7[%mul3A_2, %dma_start3A] : memref<10112x128xf32, #tpu.memory_space<vmem_shared>> -> memref<632x128xf32, #tpu.memory_space<vmem_shared>>
      %dma_start3A_10 = arith.constant 0 : i32
      %dma_start3A_11 = tpu.memref_slice %arg5[%arg0, %mul3A_2, %dma_start3A_10] : memref<2x10112x128xf32, #tpu.memory_space<hbm>> -> memref<1x632x128xf32, #tpu.memory_space<hbm>>
      %dma_start3A_12 = tpu.memref_squeeze %dma_start3A_11 : memref<1x632x128xf32, #tpu.memory_space<hbm>> -> memref<632x128xf32, #tpu.memory_space<hbm>>
      tpu.enqueue_dma source(%dma_start3A_12 : memref<632x128xf32, #tpu.memory_space<hbm>>) target(%dma_start3A_9 : memref<632x128xf32, #tpu.memory_space<vmem_shared>>) target_semaphore(%run_scoped3A : memref<!tpu.dma_semaphore, #tpu.memory_space<semaphore_mem>>)
      %dma_wait3A = arith.constant 0 : i32
      %dma_wait3A_13 = tpu.memref_slice %arg7[%mul3A_2, %dma_wait3A] : memref<10112x128xf32, #tpu.memory_space<vmem_shared>> -> memref<632x128xf32, #tpu.memory_space<vmem_shared>>
      %dma_wait3A_14 = arith.constant 0 : i32
      %dma_wait3A_15 = tpu.memref_slice %arg5[%arg0, %mul3A_2, %dma_wait3A_14] : memref<2x10112x128xf32, #tpu.memory_space<hbm>> -> memref<1x632x128xf32, #tpu.memory_space<hbm>>
      %dma_wait3A_16 = tpu.memref_squeeze %dma_wait3A_15 : memref<1x632x128xf32, #tpu.memory_space<hbm>> -> memref<632x128xf32, #tpu.memory_space<hbm>>
      tpu.wait_dma2 semaphore(%run_scoped3A : memref<!tpu.dma_semaphore, #tpu.memory_space<semaphore_mem>>) src(%dma_wait3A_16 : memref<632x128xf32, #tpu.memory_space<hbm>>) dst(%dma_wait3A_13 : memref<632x128xf32, #tpu.memory_space<vmem_shared>>)
      tpu.yield
    }) : () -> ()
    %barrier3A = arith.constant 0 : index
    tpu.barrier barrier_id(%barrier3A)
    "tpu.region"() ({
      %run_scoped3A = tpu.sem_alloc : memref<!tpu.dma_semaphore, #tpu.memory_space<semaphore_mem>>
      %dma_start3A = arith.constant 0 : i32
      %dma_start3A_9 = arith.constant 0 : i32
      %dma_start3A_10 = tpu.memref_slice %arg3[%add3A, %dma_start3A, %dma_start3A_9] : memref<32x79x128xi32, #tpu.memory_space<hbm>> -> memref<1x79x128xi32, #tpu.memory_space<hbm>>
      %dma_start3A_11 = tpu.memref_squeeze %dma_start3A_10 : memref<1x79x128xi32, #tpu.memory_space<hbm>> -> memref<79x128xi32, #tpu.memory_space<hbm>>
      %dma_start3A_12 = arith.constant 0 : i32
      %dma_start3A_13 = arith.constant 0 : i32
      %dma_start3A_14 = tpu.memref_slice %arg3[%add3A, %dma_start3A_12, %dma_start3A_13] : memref<32x79x128xi32, #tpu.memory_space<hbm>> -> memref<1x79x128xi32, #tpu.memory_space<hbm>>
      %dma_start3A_15 = tpu.memref_squeeze %dma_start3A_14 : memref<1x79x128xi32, #tpu.memory_space<hbm>> -> memref<79x128xi32, #tpu.memory_space<hbm>>
      tpu.enqueue_dma source(%dma_start3A_15 : memref<79x128xi32, #tpu.memory_space<hbm>>) target(%arg8 : memref<79x128xi32, #tpu.memory_space<vmem>>) target_semaphore(%run_scoped3A : memref<!tpu.dma_semaphore, #tpu.memory_space<semaphore_mem>>)
      %dma_wait3A = arith.constant 0 : i32
      %dma_wait3A_16 = arith.constant 0 : i32
      %dma_wait3A_17 = tpu.memref_slice %arg3[%add3A, %dma_wait3A, %dma_wait3A_16] : memref<32x79x128xi32, #tpu.memory_space<hbm>> -> memref<1x79x128xi32, #tpu.memory_space<hbm>>
      %dma_wait3A_18 = tpu.memref_squeeze %dma_wait3A_17 : memref<1x79x128xi32, #tpu.memory_space<hbm>> -> memref<79x128xi32, #tpu.memory_space<hbm>>
      %dma_wait3A_19 = arith.constant 0 : i32
      %dma_wait3A_20 = arith.constant 0 : i32
      %dma_wait3A_21 = tpu.memref_slice %arg3[%add3A, %dma_wait3A_19, %dma_wait3A_20] : memref<32x79x128xi32, #tpu.memory_space<hbm>> -> memref<1x79x128xi32, #tpu.memory_space<hbm>>
      %dma_wait3A_22 = tpu.memref_squeeze %dma_wait3A_21 : memref<1x79x128xi32, #tpu.memory_space<hbm>> -> memref<79x128xi32, #tpu.memory_space<hbm>>
      tpu.wait_dma2 semaphore(%run_scoped3A : memref<!tpu.dma_semaphore, #tpu.memory_space<semaphore_mem>>) src(%dma_wait3A_22 : memref<79x128xi32, #tpu.memory_space<hbm>>) dst(%arg8 : memref<79x128xi32, #tpu.memory_space<vmem>>)
      tpu.yield
    }) : () -> ()
    "tpu.region"() ({
      %run_scoped3A = tpu.sem_alloc : memref<!tpu.dma_semaphore, #tpu.memory_space<semaphore_mem>>
      %dma_start3A = arith.constant 0 : i32
      %dma_start3A_9 = arith.constant 0 : i32
      %dma_start3A_10 = tpu.memref_slice %arg4[%add3A, %dma_start3A, %dma_start3A_9] : memref<32x79x128xi32, #tpu.memory_space<hbm>> -> memref<1x79x128xi32, #tpu.memory_space<hbm>>
      %dma_start3A_11 = tpu.memref_squeeze %dma_start3A_10 : memref<1x79x128xi32, #tpu.memory_space<hbm>> -> memref<79x128xi32, #tpu.memory_space<hbm>>
      %dma_start3A_12 = arith.constant 0 : i32
      %dma_start3A_13 = arith.constant 0 : i32
      %dma_start3A_14 = tpu.memref_slice %arg4[%add3A, %dma_start3A_12, %dma_start3A_13] : memref<32x79x128xi32, #tpu.memory_space<hbm>> -> memref<1x79x128xi32, #tpu.memory_space<hbm>>
      %dma_start3A_15 = tpu.memref_squeeze %dma_start3A_14 : memref<1x79x128xi32, #tpu.memory_space<hbm>> -> memref<79x128xi32, #tpu.memory_space<hbm>>
      tpu.enqueue_dma source(%dma_start3A_15 : memref<79x128xi32, #tpu.memory_space<hbm>>) target(%arg9 : memref<79x128xi32, #tpu.memory_space<vmem>>) target_semaphore(%run_scoped3A : memref<!tpu.dma_semaphore, #tpu.memory_space<semaphore_mem>>)
      %dma_wait3A = arith.constant 0 : i32
      %dma_wait3A_16 = arith.constant 0 : i32
      %dma_wait3A_17 = tpu.memref_slice %arg4[%add3A, %dma_wait3A, %dma_wait3A_16] : memref<32x79x128xi32, #tpu.memory_space<hbm>> -> memref<1x79x128xi32, #tpu.memory_space<hbm>>
      %dma_wait3A_18 = tpu.memref_squeeze %dma_wait3A_17 : memref<1x79x128xi32, #tpu.memory_space<hbm>> -> memref<79x128xi32, #tpu.memory_space<hbm>>
      %dma_wait3A_19 = arith.constant 0 : i32
      %dma_wait3A_20 = arith.constant 0 : i32
      %dma_wait3A_21 = tpu.memref_slice %arg4[%add3A, %dma_wait3A_19, %dma_wait3A_20] : memref<32x79x128xi32, #tpu.memory_space<hbm>> -> memref<1x79x128xi32, #tpu.memory_space<hbm>>
      %dma_wait3A_22 = tpu.memref_squeeze %dma_wait3A_21 : memref<1x79x128xi32, #tpu.memory_space<hbm>> -> memref<79x128xi32, #tpu.memory_space<hbm>>
      tpu.wait_dma2 semaphore(%run_scoped3A : memref<!tpu.dma_semaphore, #tpu.memory_space<semaphore_mem>>) src(%dma_wait3A_22 : memref<79x128xi32, #tpu.memory_space<hbm>>) dst(%arg9 : memref<79x128xi32, #tpu.memory_space<vmem>>)
      tpu.yield
    }) : () -> ()
    %scan3A = arith.constant 0 : i32
    %scan3A_3 = arith.constant 0 : i32
    %scan3A_4 = arith.constant 79 : i32
    %scan3A_5 = arith.addi %scan3A_3, %scan3A_4 : i32
    %scan3A_6 = arith.constant 1 : i32
    scf.for %scan3A_9 = %scan3A_3 to %scan3A_5 step %scan3A_6  : i32 {
      %dma_start3A = arith.constant 0 : i32
      %dma_start3A_10 = tpu.memref_slice %arg8[%scan3A_9, %dma_start3A] : memref<79x128xi32, #tpu.memory_space<vmem>> -> memref<1x128xi32, #tpu.memory_space<vmem>>
      %dma_start3A_11 = tpu.memref_squeeze %dma_start3A_10 : memref<1x128xi32, #tpu.memory_space<vmem>> -> memref<128xi32, #tpu.memory_space<vmem>>
      %dma_start3A_12 = arith.constant 0 : i32
      %dma_start3A_13 = arith.constant 0 : i32
      %dma_start3A_14 = tpu.memref_slice %arg2[%dma_start3A_12, %dma_start3A_13] : memref<10112x128xf32, #tpu.memory_space<hbm>> -> memref<10112x128xf32, #tpu.memory_space<hbm>>
      tpu.enqueue_indirect_dma source(%dma_start3A_14 : memref<10112x128xf32, #tpu.memory_space<hbm>>) target(%arg10 : memref<128x128xf32, #tpu.memory_space<vmem>>) offsets(%dma_start3A_11 : memref<128xi32, #tpu.memory_space<vmem>>) semaphore(%arg11 : memref<!tpu.dma_semaphore, #tpu.memory_space<semaphore_mem>>)
      %dma_wait3A = arith.constant 0 : i32
      %dma_wait3A_15 = tpu.memref_slice %arg8[%scan3A_9, %dma_wait3A] : memref<79x128xi32, #tpu.memory_space<vmem>> -> memref<1x128xi32, #tpu.memory_space<vmem>>
      %dma_wait3A_16 = tpu.memref_squeeze %dma_wait3A_15 : memref<1x128xi32, #tpu.memory_space<vmem>> -> memref<128xi32, #tpu.memory_space<vmem>>
      %dma_wait3A_17 = arith.constant 0 : i32
      %dma_wait3A_18 = arith.constant 0 : i32
      %dma_wait3A_19 = tpu.memref_slice %arg2[%dma_wait3A_17, %dma_wait3A_18] : memref<10112x128xf32, #tpu.memory_space<hbm>> -> memref<10112x128xf32, #tpu.memory_space<hbm>>
      tpu.wait_indirect_dma semaphore(%arg11 : memref<!tpu.dma_semaphore, #tpu.memory_space<semaphore_mem>>) src(%dma_wait3A_19 : memref<10112x128xf32, #tpu.memory_space<hbm>>) dst(%arg10 : memref<128x128xf32, #tpu.memory_space<vmem>>)
      "tpu.region"() ({
        %run_scoped3A = tpu.sem_alloc : memref<!tpu.dma_semaphore, #tpu.memory_space<semaphore_mem>>
        %dma_start3A_20 = arith.constant 0 : i32
        %dma_start3A_21 = tpu.memref_slice %arg9[%scan3A_9, %dma_start3A_20] : memref<79x128xi32, #tpu.memory_space<vmem>> -> memref<1x128xi32, #tpu.memory_space<vmem>>
        %dma_start3A_22 = tpu.memref_squeeze %dma_start3A_21 : memref<1x128xi32, #tpu.memory_space<vmem>> -> memref<128xi32, #tpu.memory_space<vmem>>
        %dma_start3A_23 = arith.constant 0 : i32
        %dma_start3A_24 = arith.constant 0 : i32
        %dma_start3A_25 = tpu.memref_slice %arg7[%dma_start3A_23, %dma_start3A_24] : memref<10112x128xf32, #tpu.memory_space<vmem_shared>> -> memref<10112x128xf32, #tpu.memory_space<vmem_shared>>
        tpu.enqueue_indirect_dma source(%arg10 : memref<128x128xf32, #tpu.memory_space<vmem>>) target(%dma_start3A_25 : memref<10112x128xf32, #tpu.memory_space<vmem_shared>>) offsets(%dma_start3A_22 : memref<128xi32, #tpu.memory_space<vmem>>) semaphore(%run_scoped3A : memref<!tpu.dma_semaphore, #tpu.memory_space<semaphore_mem>>) {add = true}
        %dma_wait3A_26 = arith.constant 0 : i32
        %dma_wait3A_27 = tpu.memref_slice %arg9[%scan3A_9, %dma_wait3A_26] : memref<79x128xi32, #tpu.memory_space<vmem>> -> memref<1x128xi32, #tpu.memory_space<vmem>>
        %dma_wait3A_28 = tpu.memref_squeeze %dma_wait3A_27 : memref<1x128xi32, #tpu.memory_space<vmem>> -> memref<128xi32, #tpu.memory_space<vmem>>
        %dma_wait3A_29 = arith.constant 0 : i32
        %dma_wait3A_30 = arith.constant 0 : i32
        %dma_wait3A_31 = tpu.memref_slice %arg7[%dma_wait3A_29, %dma_wait3A_30] : memref<10112x128xf32, #tpu.memory_space<vmem_shared>> -> memref<10112x128xf32, #tpu.memory_space<vmem_shared>>
        tpu.wait_indirect_dma semaphore(%run_scoped3A : memref<!tpu.dma_semaphore, #tpu.memory_space<semaphore_mem>>) src(%arg10 : memref<128x128xf32, #tpu.memory_space<vmem>>) dst(%dma_wait3A_31 : memref<10112x128xf32, #tpu.memory_space<vmem_shared>>)
        tpu.yield
      }) : () -> ()
    }
    %scan3A_7 = arith.constant 79 : i32
    %barrier3A_8 = arith.constant 0 : index
    tpu.barrier barrier_id(%barrier3A_8)
    "tpu.region"() ({
      %run_scoped3A = tpu.sem_alloc : memref<!tpu.dma_semaphore, #tpu.memory_space<semaphore_mem>>
      %dma_start3A = arith.constant 0 : i32
      %dma_start3A_9 = tpu.memref_slice %arg6[%arg0, %mul3A_2, %dma_start3A] : memref<2x10112x128xf32, #tpu.memory_space<hbm>> -> memref<1x632x128xf32, #tpu.memory_space<hbm>>
      %dma_start3A_10 = tpu.memref_squeeze %dma_start3A_9 : memref<1x632x128xf32, #tpu.memory_space<hbm>> -> memref<632x128xf32, #tpu.memory_space<hbm>>
      %dma_start3A_11 = arith.constant 0 : i32
      %dma_start3A_12 = tpu.memref_slice %arg7[%mul3A_2, %dma_start3A_11] : memref<10112x128xf32, #tpu.memory_space<vmem_shared>> -> memref<632x128xf32, #tpu.memory_space<vmem_shared>>
      tpu.enqueue_dma source(%dma_start3A_12 : memref<632x128xf32, #tpu.memory_space<vmem_shared>>) target(%dma_start3A_10 : memref<632x128xf32, #tpu.memory_space<hbm>>) target_semaphore(%run_scoped3A : memref<!tpu.dma_semaphore, #tpu.memory_space<semaphore_mem>>)
      %dma_wait3A = arith.constant 0 : i32
      %dma_wait3A_13 = tpu.memref_slice %arg6[%arg0, %mul3A_2, %dma_wait3A] : memref<2x10112x128xf32, #tpu.memory_space<hbm>> -> memref<1x632x128xf32, #tpu.memory_space<hbm>>
      %dma_wait3A_14 = tpu.memref_squeeze %dma_wait3A_13 : memref<1x632x128xf32, #tpu.memory_space<hbm>> -> memref<632x128xf32, #tpu.memory_space<hbm>>
      %dma_wait3A_15 = arith.constant 0 : i32
      %dma_wait3A_16 = tpu.memref_slice %arg7[%mul3A_2, %dma_wait3A_15] : memref<10112x128xf32, #tpu.memory_space<vmem_shared>> -> memref<632x128xf32, #tpu.memory_space<vmem_shared>>
      tpu.wait_dma2 semaphore(%run_scoped3A : memref<!tpu.dma_semaphore, #tpu.memory_space<semaphore_mem>>) src(%dma_wait3A_16 : memref<632x128xf32, #tpu.memory_space<vmem_shared>>) dst(%dma_wait3A_14 : memref<632x128xf32, #tpu.memory_space<hbm>>)
      tpu.yield
    }) : () -> ()
    return
  }
}

#map = affine_map<(d0, d1) -> (0, 0)>
#map1 = affine_map<(d0, d1) -> (0, 0, 0)>
module attributes {stable_mosaic.version = 14 : i64} {
  func.func @body(%arg0: i32, %arg1: i32, %arg2: memref<10112x128xf32, #tpu.memory_space<hbm>>, %arg3: memref<32x79x128xi32, #tpu.memory_space<hbm>>, %arg4: memref<32x79x128xi32, #tpu.memory_space<hbm>>, %arg5: memref<2x10112x128xf32, #tpu.memory_space<hbm>>, %arg6: memref<2x10112x128xf32, #tpu.memory_space<hbm>>, %arg7: memref<10112x128xf32, #tpu.memory_space<vmem_shared>>, %arg8: memref<79x128xi32, #tpu.memory_space<vmem>>, %arg9: memref<79x128xi32, #tpu.memory_space<vmem>>, %arg10: memref<128x128xf32, #tpu.memory_space<vmem>>, %arg11: memref<!tpu.dma_semaphore, #tpu.memory_space<semaphore_mem>>) attributes {dimension_semantics = [#tpu.dimension_semantics<core_parallel>, #tpu.dimension_semantics<subcore_parallel>], iteration_bounds = array<i64: 2, 16>, scalar_prefetch = 0 : i64, scratch_operands = 5 : i64, tpu.core_type = #tpu.core_type<sc_vector_subcore>, window_params = [{transform_indices = #map}, {transform_indices = #map1}, {transform_indices = #map1}, {transform_indices = #map1}, {transform_indices = #map1}]} {
    %mul3A = arith.constant 2 : i32
    %mul3A_0 = arith.muli %arg1, %mul3A : i32
    %add3A = arith.addi %mul3A_0, %arg0 : i32
    %mul3A_1 = arith.constant 632 : i32
    %mul3A_2 = arith.muli %arg1, %mul3A_1 : i32
    "tpu.region"() ({
      %run_scoped3A = tpu.sem_alloc : memref<!tpu.dma_semaphore, #tpu.memory_space<semaphore_mem>>
      %dma_start3A = arith.constant 0 : i32
      %dma_start3A_9 = tpu.memref_slice %arg7[%mul3A_2, %dma_start3A] : memref<10112x128xf32, #tpu.memory_space<vmem_shared>> -> memref<632x128xf32, #tpu.memory_space<vmem_shared>>
      %dma_start3A_10 = arith.constant 0 : i32
      %dma_start3A_11 = tpu.memref_slice %arg5[%arg0, %mul3A_2, %dma_start3A_10] : memref<2x10112x128xf32, #tpu.memory_space<hbm>> -> memref<1x632x128xf32, #tpu.memory_space<hbm>>
      %dma_start3A_12 = tpu.memref_squeeze %dma_start3A_11 : memref<1x632x128xf32, #tpu.memory_space<hbm>> -> memref<632x128xf32, #tpu.memory_space<hbm>>
      tpu.enqueue_dma source(%dma_start3A_12 : memref<632x128xf32, #tpu.memory_space<hbm>>) target(%dma_start3A_9 : memref<632x128xf32, #tpu.memory_space<vmem_shared>>) target_semaphore(%run_scoped3A : memref<!tpu.dma_semaphore, #tpu.memory_space<semaphore_mem>>)
      %dma_wait3A = arith.constant 0 : i32
      %dma_wait3A_13 = tpu.memref_slice %arg7[%mul3A_2, %dma_wait3A] : memref<10112x128xf32, #tpu.memory_space<vmem_shared>> -> memref<632x128xf32, #tpu.memory_space<vmem_shared>>
      %dma_wait3A_14 = arith.constant 0 : i32
      %dma_wait3A_15 = tpu.memref_slice %arg5[%arg0, %mul3A_2, %dma_wait3A_14] : memref<2x10112x128xf32, #tpu.memory_space<hbm>> -> memref<1x632x128xf32, #tpu.memory_space<hbm>>
      %dma_wait3A_16 = tpu.memref_squeeze %dma_wait3A_15 : memref<1x632x128xf32, #tpu.memory_space<hbm>> -> memref<632x128xf32, #tpu.memory_space<hbm>>
      tpu.wait_dma2 semaphore(%run_scoped3A : memref<!tpu.dma_semaphore, #tpu.memory_space<semaphore_mem>>) src(%dma_wait3A_16 : memref<632x128xf32, #tpu.memory_space<hbm>>) dst(%dma_wait3A_13 : memref<632x128xf32, #tpu.memory_space<vmem_shared>>)
      tpu.yield
    }) : () -> ()
    %barrier3A = arith.constant 0 : index
    tpu.barrier barrier_id(%barrier3A)
    "tpu.region"() ({
      %run_scoped3A = tpu.sem_alloc : memref<!tpu.dma_semaphore, #tpu.memory_space<semaphore_mem>>
      %dma_start3A = arith.constant 0 : i32
      %dma_start3A_9 = arith.constant 0 : i32
      %dma_start3A_10 = tpu.memref_slice %arg3[%add3A, %dma_start3A, %dma_start3A_9] : memref<32x79x128xi32, #tpu.memory_space<hbm>> -> memref<1x79x128xi32, #tpu.memory_space<hbm>>
      %dma_start3A_11 = tpu.memref_squeeze %dma_start3A_10 : memref<1x79x128xi32, #tpu.memory_space<hbm>> -> memref<79x128xi32, #tpu.memory_space<hbm>>
      %dma_start3A_12 = arith.constant 0 : i32
      %dma_start3A_13 = arith.constant 0 : i32
      %dma_start3A_14 = tpu.memref_slice %arg3[%add3A, %dma_start3A_12, %dma_start3A_13] : memref<32x79x128xi32, #tpu.memory_space<hbm>> -> memref<1x79x128xi32, #tpu.memory_space<hbm>>
      %dma_start3A_15 = tpu.memref_squeeze %dma_start3A_14 : memref<1x79x128xi32, #tpu.memory_space<hbm>> -> memref<79x128xi32, #tpu.memory_space<hbm>>
      tpu.enqueue_dma source(%dma_start3A_15 : memref<79x128xi32, #tpu.memory_space<hbm>>) target(%arg8 : memref<79x128xi32, #tpu.memory_space<vmem>>) target_semaphore(%run_scoped3A : memref<!tpu.dma_semaphore, #tpu.memory_space<semaphore_mem>>)
      %dma_wait3A = arith.constant 0 : i32
      %dma_wait3A_16 = arith.constant 0 : i32
      %dma_wait3A_17 = tpu.memref_slice %arg3[%add3A, %dma_wait3A, %dma_wait3A_16] : memref<32x79x128xi32, #tpu.memory_space<hbm>> -> memref<1x79x128xi32, #tpu.memory_space<hbm>>
      %dma_wait3A_18 = tpu.memref_squeeze %dma_wait3A_17 : memref<1x79x128xi32, #tpu.memory_space<hbm>> -> memref<79x128xi32, #tpu.memory_space<hbm>>
      %dma_wait3A_19 = arith.constant 0 : i32
      %dma_wait3A_20 = arith.constant 0 : i32
      %dma_wait3A_21 = tpu.memref_slice %arg3[%add3A, %dma_wait3A_19, %dma_wait3A_20] : memref<32x79x128xi32, #tpu.memory_space<hbm>> -> memref<1x79x128xi32, #tpu.memory_space<hbm>>
      %dma_wait3A_22 = tpu.memref_squeeze %dma_wait3A_21 : memref<1x79x128xi32, #tpu.memory_space<hbm>> -> memref<79x128xi32, #tpu.memory_space<hbm>>
      tpu.wait_dma2 semaphore(%run_scoped3A : memref<!tpu.dma_semaphore, #tpu.memory_space<semaphore_mem>>) src(%dma_wait3A_22 : memref<79x128xi32, #tpu.memory_space<hbm>>) dst(%arg8 : memref<79x128xi32, #tpu.memory_space<vmem>>)
      tpu.yield
    }) : () -> ()
    "tpu.region"() ({
      %run_scoped3A = tpu.sem_alloc : memref<!tpu.dma_semaphore, #tpu.memory_space<semaphore_mem>>
      %dma_start3A = arith.constant 0 : i32
      %dma_start3A_9 = arith.constant 0 : i32
      %dma_start3A_10 = tpu.memref_slice %arg4[%add3A, %dma_start3A, %dma_start3A_9] : memref<32x79x128xi32, #tpu.memory_space<hbm>> -> memref<1x79x128xi32, #tpu.memory_space<hbm>>
      %dma_start3A_11 = tpu.memref_squeeze %dma_start3A_10 : memref<1x79x128xi32, #tpu.memory_space<hbm>> -> memref<79x128xi32, #tpu.memory_space<hbm>>
      %dma_start3A_12 = arith.constant 0 : i32
      %dma_start3A_13 = arith.constant 0 : i32
      %dma_start3A_14 = tpu.memref_slice %arg4[%add3A, %dma_start3A_12, %dma_start3A_13] : memref<32x79x128xi32, #tpu.memory_space<hbm>> -> memref<1x79x128xi32, #tpu.memory_space<hbm>>
      %dma_start3A_15 = tpu.memref_squeeze %dma_start3A_14 : memref<1x79x128xi32, #tpu.memory_space<hbm>> -> memref<79x128xi32, #tpu.memory_space<hbm>>
      tpu.enqueue_dma source(%dma_start3A_15 : memref<79x128xi32, #tpu.memory_space<hbm>>) target(%arg9 : memref<79x128xi32, #tpu.memory_space<vmem>>) target_semaphore(%run_scoped3A : memref<!tpu.dma_semaphore, #tpu.memory_space<semaphore_mem>>)
      %dma_wait3A = arith.constant 0 : i32
      %dma_wait3A_16 = arith.constant 0 : i32
      %dma_wait3A_17 = tpu.memref_slice %arg4[%add3A, %dma_wait3A, %dma_wait3A_16] : memref<32x79x128xi32, #tpu.memory_space<hbm>> -> memref<1x79x128xi32, #tpu.memory_space<hbm>>
      %dma_wait3A_18 = tpu.memref_squeeze %dma_wait3A_17 : memref<1x79x128xi32, #tpu.memory_space<hbm>> -> memref<79x128xi32, #tpu.memory_space<hbm>>
      %dma_wait3A_19 = arith.constant 0 : i32
      %dma_wait3A_20 = arith.constant 0 : i32
      %dma_wait3A_21 = tpu.memref_slice %arg4[%add3A, %dma_wait3A_19, %dma_wait3A_20] : memref<32x79x128xi32, #tpu.memory_space<hbm>> -> memref<1x79x128xi32, #tpu.memory_space<hbm>>
      %dma_wait3A_22 = tpu.memref_squeeze %dma_wait3A_21 : memref<1x79x128xi32, #tpu.memory_space<hbm>> -> memref<79x128xi32, #tpu.memory_space<hbm>>
      tpu.wait_dma2 semaphore(%run_scoped3A : memref<!tpu.dma_semaphore, #tpu.memory_space<semaphore_mem>>) src(%dma_wait3A_22 : memref<79x128xi32, #tpu.memory_space<hbm>>) dst(%arg9 : memref<79x128xi32, #tpu.memory_space<vmem>>)
      tpu.yield
    }) : () -> ()
    %scan3A = arith.constant 0 : i32
    %scan3A_3 = arith.constant 0 : i32
    %scan3A_4 = arith.constant 79 : i32
    %scan3A_5 = arith.addi %scan3A_3, %scan3A_4 : i32
    %scan3A_6 = arith.constant 1 : i32
    scf.for %scan3A_9 = %scan3A_3 to %scan3A_5 step %scan3A_6  : i32 {
      %dma_start3A = arith.constant 0 : i32
      %dma_start3A_10 = tpu.memref_slice %arg8[%scan3A_9, %dma_start3A] : memref<79x128xi32, #tpu.memory_space<vmem>> -> memref<1x128xi32, #tpu.memory_space<vmem>>
      %dma_start3A_11 = tpu.memref_squeeze %dma_start3A_10 : memref<1x128xi32, #tpu.memory_space<vmem>> -> memref<128xi32, #tpu.memory_space<vmem>>
      %dma_start3A_12 = arith.constant 0 : i32
      %dma_start3A_13 = arith.constant 0 : i32
      %dma_start3A_14 = tpu.memref_slice %arg2[%dma_start3A_12, %dma_start3A_13] : memref<10112x128xf32, #tpu.memory_space<hbm>> -> memref<10112x128xf32, #tpu.memory_space<hbm>>
      tpu.enqueue_indirect_dma source(%dma_start3A_14 : memref<10112x128xf32, #tpu.memory_space<hbm>>) target(%arg10 : memref<128x128xf32, #tpu.memory_space<vmem>>) offsets(%dma_start3A_11 : memref<128xi32, #tpu.memory_space<vmem>>) semaphore(%arg11 : memref<!tpu.dma_semaphore, #tpu.memory_space<semaphore_mem>>)
      %dma_wait3A = arith.constant 0 : i32
      %dma_wait3A_15 = tpu.memref_slice %arg8[%scan3A_9, %dma_wait3A] : memref<79x128xi32, #tpu.memory_space<vmem>> -> memref<1x128xi32, #tpu.memory_space<vmem>>
      %dma_wait3A_16 = tpu.memref_squeeze %dma_wait3A_15 : memref<1x128xi32, #tpu.memory_space<vmem>> -> memref<128xi32, #tpu.memory_space<vmem>>
      %dma_wait3A_17 = arith.constant 0 : i32
      %dma_wait3A_18 = arith.constant 0 : i32
      %dma_wait3A_19 = tpu.memref_slice %arg2[%dma_wait3A_17, %dma_wait3A_18] : memref<10112x128xf32, #tpu.memory_space<hbm>> -> memref<10112x128xf32, #tpu.memory_space<hbm>>
      tpu.wait_indirect_dma semaphore(%arg11 : memref<!tpu.dma_semaphore, #tpu.memory_space<semaphore_mem>>) src(%dma_wait3A_19 : memref<10112x128xf32, #tpu.memory_space<hbm>>) dst(%arg10 : memref<128x128xf32, #tpu.memory_space<vmem>>)
      "tpu.region"() ({
        %run_scoped3A = tpu.sem_alloc : memref<!tpu.dma_semaphore, #tpu.memory_space<semaphore_mem>>
        %dma_start3A_20 = arith.constant 0 : i32
        %dma_start3A_21 = tpu.memref_slice %arg9[%scan3A_9, %dma_start3A_20] : memref<79x128xi32, #tpu.memory_space<vmem>> -> memref<1x128xi32, #tpu.memory_space<vmem>>
        %dma_start3A_22 = tpu.memref_squeeze %dma_start3A_21 : memref<1x128xi32, #tpu.memory_space<vmem>> -> memref<128xi32, #tpu.memory_space<vmem>>
        %dma_start3A_23 = arith.constant 0 : i32
        %dma_start3A_24 = arith.constant 0 : i32
        %dma_start3A_25 = tpu.memref_slice %arg7[%dma_start3A_23, %dma_start3A_24] : memref<10112x128xf32, #tpu.memory_space<vmem_shared>> -> memref<10112x128xf32, #tpu.memory_space<vmem_shared>>
        tpu.enqueue_indirect_dma source(%arg10 : memref<128x128xf32, #tpu.memory_space<vmem>>) target(%dma_start3A_25 : memref<10112x128xf32, #tpu.memory_space<vmem_shared>>) offsets(%dma_start3A_22 : memref<128xi32, #tpu.memory_space<vmem>>) semaphore(%run_scoped3A : memref<!tpu.dma_semaphore, #tpu.memory_space<semaphore_mem>>) {add = true}
        %dma_wait3A_26 = arith.constant 0 : i32
        %dma_wait3A_27 = tpu.memref_slice %arg9[%scan3A_9, %dma_wait3A_26] : memref<79x128xi32, #tpu.memory_space<vmem>> -> memref<1x128xi32, #tpu.memory_space<vmem>>
        %dma_wait3A_28 = tpu.memref_squeeze %dma_wait3A_27 : memref<1x128xi32, #tpu.memory_space<vmem>> -> memref<128xi32, #tpu.memory_space<vmem>>
        %dma_wait3A_29 = arith.constant 0 : i32
        %dma_wait3A_30 = arith.constant 0 : i32
        %dma_wait3A_31 = tpu.memref_slice %arg7[%dma_wait3A_29, %dma_wait3A_30] : memref<10112x128xf32, #tpu.memory_space<vmem_shared>> -> memref<10112x128xf32, #tpu.memory_space<vmem_shared>>
        tpu.wait_indirect_dma semaphore(%run_scoped3A : memref<!tpu.dma_semaphore, #tpu.memory_space<semaphore_mem>>) src(%arg10 : memref<128x128xf32, #tpu.memory_space<vmem>>) dst(%dma_wait3A_31 : memref<10112x128xf32, #tpu.memory_space<vmem_shared>>)
        tpu.yield
      }) : () -> ()
    }
    %scan3A_7 = arith.constant 79 : i32
    %barrier3A_8 = arith.constant 0 : index
    tpu.barrier barrier_id(%barrier3A_8)
    "tpu.region"() ({
      %run_scoped3A = tpu.sem_alloc : memref<!tpu.dma_semaphore, #tpu.memory_space<semaphore_mem>>
      %dma_start3A = arith.constant 0 : i32
      %dma_start3A_9 = tpu.memref_slice %arg6[%arg0, %mul3A_2, %dma_start3A] : memref<2x10112x128xf32, #tpu.memory_space<hbm>> -> memref<1x632x128xf32, #tpu.memory_space<hbm>>
      %dma_start3A_10 = tpu.memref_squeeze %dma_start3A_9 : memref<1x632x128xf32, #tpu.memory_space<hbm>> -> memref<632x128xf32, #tpu.memory_space<hbm>>
      %dma_start3A_11 = arith.constant 0 : i32
      %dma_start3A_12 = tpu.memref_slice %arg7[%mul3A_2, %dma_start3A_11] : memref<10112x128xf32, #tpu.memory_space<vmem_shared>> -> memref<632x128xf32, #tpu.memory_space<vmem_shared>>
      tpu.enqueue_dma source(%dma_start3A_12 : memref<632x128xf32, #tpu.memory_space<vmem_shared>>) target(%dma_start3A_10 : memref<632x128xf32, #tpu.memory_space<hbm>>) target_semaphore(%run_scoped3A : memref<!tpu.dma_semaphore, #tpu.memory_space<semaphore_mem>>)
      %dma_wait3A = arith.constant 0 : i32
      %dma_wait3A_13 = tpu.memref_slice %arg6[%arg0, %mul3A_2, %dma_wait3A] : memref<2x10112x128xf32, #tpu.memory_space<hbm>> -> memref<1x632x128xf32, #tpu.memory_space<hbm>>
      %dma_wait3A_14 = tpu.memref_squeeze %dma_wait3A_13 : memref<1x632x128xf32, #tpu.memory_space<hbm>> -> memref<632x128xf32, #tpu.memory_space<hbm>>
      %dma_wait3A_15 = arith.constant 0 : i32
      %dma_wait3A_16 = tpu.memref_slice %arg7[%mul3A_2, %dma_wait3A_15] : memref<10112x128xf32, #tpu.memory_space<vmem_shared>> -> memref<632x128xf32, #tpu.memory_space<vmem_shared>>
      tpu.wait_dma2 semaphore(%run_scoped3A : memref<!tpu.dma_semaphore, #tpu.memory_space<semaphore_mem>>) src(%dma_wait3A_16 : memref<632x128xf32, #tpu.memory_space<vmem_shared>>) dst(%dma_wait3A_14 : memref<632x128xf32, #tpu.memory_space<hbm>>)
      tpu.yield
    }) : () -> ()
    return
  }
}

module attributes {stable_mosaic.version = 14 : i64} {
  func.func @body(%arg0: i32, %arg1: memref<632x128xf32, #tpu.memory_space<vmem>>, %arg2: memref<632x128xf32, #tpu.memory_space<vmem>>) attributes {dimension_semantics = [#tpu.dimension_semantics<arbitrary>], iteration_bounds = array<i64: 16>, scalar_prefetch = 0 : i64, scratch_operands = 0 : i64, tpu.core_type = #tpu.core_type<tc>, window_params = [{transform_indices = @transform_0, window_bounds = array<i64: 632, 128>}, {transform_indices = @transform_1, window_bounds = array<i64: 632, 128>}]} {
    %get3A = arith.constant 0 : index
    %get3A_0 = arith.constant 0 : index
    %get3A_1 = vector.load %arg1[%get3A, %get3A_0] : memref<632x128xf32, #tpu.memory_space<vmem>>, vector<632x128xf32>
    %mul3A = arith.mulf %get3A_1, %get3A_1 : vector<632x128xf32>
    %reduce_sum3A = arith.constant dense<0.000000e+00> : vector<632xf32>
    %reduce_sum3A_2 = vector.multi_reduction <add>, %mul3A, %reduce_sum3A [1] : vector<632x128xf32> to vector<632xf32>
    %broadcast_in_dim3A = vector.shape_cast %reduce_sum3A_2 : vector<632xf32> to vector<632x1xf32>
    %sqrt3A = math.sqrt %broadcast_in_dim3A : vector<632x1xf32>
    %max3A = arith.constant 9.99999996E-13 : f32
    %max3A_3 = vector.broadcast %max3A : f32 to vector<632x1xf32>
    %max3A_4 = arith.maximumf %sqrt3A, %max3A_3 : vector<632x1xf32>
    %div3A = vector.broadcast %max3A_4 : vector<632x1xf32> to vector<632x128xf32>
    %div3A_5 = arith.divf %get3A_1, %div3A : vector<632x128xf32>
    %swap3A = arith.constant 0 : index
    %swap3A_6 = arith.constant 0 : index
    %swap3A_7 = vector.load %arg2[%swap3A, %swap3A_6] : memref<632x128xf32, #tpu.memory_space<vmem>>, vector<632x128xf32>
    tpu.vector_store %arg2[%swap3A, %swap3A_6], %div3A_5 {strides = array<i32>} : memref<632x128xf32, #tpu.memory_space<vmem>>, vector<632x128xf32>,
    return
  }
  func.func @transform_0(%arg0: i32) -> (i32, i32) {
    %c0_i32 = arith.constant 0 : i32
    %c0_i32_0 = arith.constant 0 : i32
    return %arg0, %c0_i32 : i32, i32
  }
  func.func @transform_1(%arg0: i32) -> (i32, i32) {
    %c0_i32 = arith.constant 0 : i32
    %c0_i32_0 = arith.constant 0 : i32
    return %arg0, %c0_i32 : i32, i32
  }
}

module attributes {stable_mosaic.version = 14 : i64} {
  func.func @body(%arg0: i32, %arg1: memref<2x632x128xf32, #tpu.memory_space<vmem>>, %arg2: memref<632x128xf32, #tpu.memory_space<vmem>>) attributes {dimension_semantics = [#tpu.dimension_semantics<arbitrary>], iteration_bounds = array<i64: 16>, scalar_prefetch = 0 : i64, scratch_operands = 0 : i64, tpu.core_type = #tpu.core_type<tc>, window_params = [{transform_indices = @transform_0, window_bounds = array<i64: 2, 632, 128>}, {transform_indices = @transform_1, window_bounds = array<i64: 632, 128>}]} {
    %get3A = arith.constant 0 : index
    %get3A_0 = arith.constant 0 : index
    %get3A_1 = arith.constant 0 : index
    %get3A_2 = vector.load %arg1[%get3A, %get3A_0, %get3A_1] : memref<2x632x128xf32, #tpu.memory_space<vmem>>, vector<1x632x128xf32>
    %get3A_3 = vector.shape_cast %get3A_2 : vector<1x632x128xf32> to vector<632x128xf32>
    %get3A_4 = arith.constant 1 : index
    %get3A_5 = arith.constant 0 : index
    %get3A_6 = arith.constant 0 : index
    %get3A_7 = vector.load %arg1[%get3A_4, %get3A_5, %get3A_6] : memref<2x632x128xf32, #tpu.memory_space<vmem>>, vector<1x632x128xf32>
    %get3A_8 = vector.shape_cast %get3A_7 : vector<1x632x128xf32> to vector<632x128xf32>
    %add3A = arith.addf %get3A_3, %get3A_8 : vector<632x128xf32>
    %mul3A = arith.mulf %add3A, %add3A : vector<632x128xf32>
    %reduce_sum3A = arith.constant dense<0.000000e+00> : vector<632xf32>
    %reduce_sum3A_9 = vector.multi_reduction <add>, %mul3A, %reduce_sum3A [1] : vector<632x128xf32> to vector<632xf32>
    %broadcast_in_dim3A = vector.shape_cast %reduce_sum3A_9 : vector<632xf32> to vector<632x1xf32>
    %sqrt3A = math.sqrt %broadcast_in_dim3A : vector<632x1xf32>
    %max3A = arith.constant 9.99999996E-13 : f32
    %max3A_10 = vector.broadcast %max3A : f32 to vector<632x1xf32>
    %max3A_11 = arith.maximumf %sqrt3A, %max3A_10 : vector<632x1xf32>
    %div3A = vector.broadcast %max3A_11 : vector<632x1xf32> to vector<632x128xf32>
    %div3A_12 = arith.divf %add3A, %div3A : vector<632x128xf32>
    %swap3A = arith.constant 0 : index
    %swap3A_13 = arith.constant 0 : index
    %swap3A_14 = vector.load %arg2[%swap3A, %swap3A_13] : memref<632x128xf32, #tpu.memory_space<vmem>>, vector<632x128xf32>
    tpu.vector_store %arg2[%swap3A, %swap3A_13], %div3A_12 {strides = array<i32>} : memref<632x128xf32, #tpu.memory_space<vmem>>, vector<632x128xf32>,
    return
  }
  func.func @transform_0(%arg0: i32) -> (i32, i32, i32) {
    %c0_i32 = arith.constant 0 : i32
    %c0_i32_0 = arith.constant 0 : i32
    %c0_i32_1 = arith.constant 0 : i32
    return %c0_i32, %arg0, %c0_i32_0 : i32, i32, i32
  }
  func.func @transform_1(%arg0: i32) -> (i32, i32) {
    %c0_i32 = arith.constant 0 : i32
    %c0_i32_0 = arith.constant 0 : i32
    return %arg0, %c0_i32 : i32, i32
  }
}

</mosaic_0001>

<sc_bundles>
// kernel: kernel.14.cloned.1.call-start
scs
__scs_entry_jumppad:
0x0: {  	(pc) =	sbr.rel $0x88, $3  }
0x1: {  	(tag) =	ssettag $0x0;
	lr =	simm.s32 $0x1  }
0x2: {  	[smem:$0x3F9F] =	sst lr;
	_ =	strace $0xD0000000  }
0x3: {  	_ = 	snop  }
0x4: {  	_ = 	snop  }
0x5: {  	_ = 	snop  }
0x6: {  	_ = 	snop  }
0x7: {  	_ = 	snop  }
__scs_overlays_trampoline_lowered:
0x8: {  	[smem:$0x3FAE] =	sst s0  }
0x9: {  	[smem:$0x3FAF] =	sst s1  }
0xa: {  	[smem:$0x3FB0] =	sst s2  }
0xb: {  	[smem:$0x3FB1] =	sst s3  }
0xc: {  	[smem:$0x3FB2] =	sst s4  }
0xd: {  	[smem:$0x3FB3] =	sst s5  }
0xe: {  	[smem:$0x3FB4] =	sst s6  }
0xf: {  	[smem:$0x3FB5] =	sst s7  }
0x10: {  	[smem:$0x3FB6] =	sst s8  }
0x11: {  	[smem:$0x3FB7] =	sst s9;
	s0 =	simm.s32 @!p0 $0x0  }
0x12: {  	s1 =	sld [smem:$0x3F9D];
	s0 =	simm.s32 @p0 $0x1  }
0x13: {  	[smem:$0x3FB8] =	sst s0;
	s0 =	simm.s32 @!p1 $0x0  }
0x14: {  	s2 =	sld [smem:$0x3F9C];
	s0 =	simm.s32 @p1 $0x1  }
0x15: {  	[smem:$0x3FB9] =	sst s0;
	s0 =	simm.s32 @!p2 $0x0  }
0x16: {  	s3 =	sld [smem:$0x3FDB];
	s0 =	simm.s32 @p2 $0x1  }
0x17: {  	s4 =	simm.s32 $0x1BF5;
	[smem:$0x3FBB] =	sst s0  }
0x18: {  	s0 =	sld [smem:$0x3F9E];
	_ =	swait.ge [sflag:s4], $0x0  }
0x19: {  	s7 =	sld [smem:$0x3F9F]  }
0x1a: {  	s8 =	sadd.s32 $0xFFFFE003, lr  }
0x1b: {  	s9 =	sadd.s32 $0xFFFFFEF7, lr;
	s5 =	simm.s32 $0xFFFFFFFF;
	p2 =	slt.u32 s8, $0xFFFFF086  }
0x1c: {  	p1 =	slt.u32 s9, $0xF7A;
	s5 =	simm.s32 @!p2 $0x0  }
0x1d: {  	s5 =	simm.s32 @p1 $0x1;
	p0 =	seq.s32 s7, s2  }
0x1e: {  	s7 =	smul.u32 @!p0 $0xF7A, s2;
	p2 =	seq.s32 @!p0 s5, $0x0  }
0x1f: {  	s9 =	smul.u32 $0xF7A, s1;
	s8 =	simm.s32 @!p0 $0x1BF5;
	p2 =	por !p2, p0  }
0x20: {  	[sflag:s8] =	ssyncset.s32 @!p0 $0xFFFFF086;
	s6 =	sadd.s32 @!p0 s3, s7;
	s7 =	simm.s32 @!p0 $0x108  }
0x21: {  	s3 =	sadd.s32 s3, s9;
	s6 =	sadd.s32 @!p0 $0x88, s6;
	s7 =	simm.s32 @p2 $0x1082  }
0x22: {  	[simem:s7], [sflag:s8] =	dma.local @!p0 [hbm:s6], $0xF7A  }
0x23: {  	s9 =	sor.u32 $0xD0000000, s2;
	s6 =	simm.s32 $0x108;
	_ =	swait.ge @!p0 [sflag:s8], $0x0  }
0x24: {  	s3 =	sadd.s32 $0x88, s3;
	s6 =	simm.s32 @!p1 $0x1082;
	[sflag:s4] =	ssyncset.s32 $0xFFFFF086  }
0x25: {  	[simem:s6], [sflag:s4] =	dma.local [hbm:s3], $0xF7A  }
0x26: {  	[smem:$0x3F9F] =	sst s1;
	(tag) =	ssettag s2;
	_ =	strace s9  }
0x27: {  	s1 =	sld [smem:$0x3FAF]  }
0x28: {  	s2 =	sld [smem:$0x3FB0]  }
0x29: {  	s4 =	sld [smem:$0x3FB2]  }
0x2a: {  	p0 =	seq.s32 s5, $0x0;
	s5 =	sld [smem:$0x3FB3]  }
0x2b: {  	s6 =	sld [smem:$0x3FB4]  }
0x2c: {  	s7 =	sld [smem:$0x3FB5]  }
0x2d: {  	s3 =	simm.s32 $0x108;
	s8 =	sld [smem:$0x3FB6]  }
0x2e: {  	s3 =	simm.s32 @!p0 $0x1082;
	s9 =	sld [smem:$0x3FB7]  }
0x2f: {  	lr =	sadd.s32 s0, s3;
	s0 =	sld [smem:$0x3FAE]  }
0x30: {  	s3 =	sld [smem:$0x3FB1]  }
0x31: {  	[smem:$0x3FBA] =	sst s10  }
0x32: {  	s10 =	sld [smem:$0x3FB8];
	_ =	sdelay $0x3  }
0x33: {  	p0 =	seq.s32 s10, $0x1;
	s10 =	sld [smem:$0x3FBA];
	_ =	sdelay $0x3  }
0x34: {  	[smem:$0x3FBA] =	sst s10  }
0x35: {  	s10 =	sld [smem:$0x3FB9];
	_ =	sdelay $0x3  }
0x36: {  	p1 =	seq.s32 s10, $0x1;
	s10 =	sld [smem:$0x3FBA];
	_ =	sdelay $0x3  }
0x37: {  	[smem:$0x3FBA] =	sst s10  }
0x38: {  	s10 =	sld [smem:$0x3FBB]  }
0x39: {  	_ = 	snop;
	(pc) =	sbr.ind lr, $3  }
0x3a: {  	_ = 	snop  }
0x3b: {  	_ = 	snop  }
0x3c: {  	p2 =	seq.s32 s10, $0x1;
	s10 =	sld [smem:$0x3FBA]  }
0x3d: {  	_ =	shalt  }
0x3e: {  	_ =	shalt  }
0x3f: {  	_ =	shalt  }
0x40: {  	_ =	shalt  }
0x41: {  	_ =	shalt  }
0x42: {  	_ =	shalt  }
0x43: {  	_ =	shalt  }
0x44: {  	_ =	shalt  }
0x45: {  	_ =	shalt  }
0x46: {  	_ =	shalt  }
0x47: {  	_ =	shalt  }
0x48: {  	_ =	shalt  }
0x49: {  	_ =	shalt  }
0x4a: {  	_ =	shalt  }
0x4b: {  	_ =	shalt  }
0x4c: {  	_ =	shalt  }
0x4d: {  	_ =	shalt  }
0x4e: {  	_ =	shalt  }
0x4f: {  	_ =	shalt  }
0x50: {  	_ =	shalt  }
0x51: {  	_ =	shalt  }
0x52: {  	_ =	shalt  }
0x53: {  	_ =	shalt  }
0x54: {  	_ =	shalt  }
0x55: {  	_ =	shalt  }
0x56: {  	_ =	shalt  }
0x57: {  	_ =	shalt  }
0x58: {  	_ =	shalt  }
0x59: {  	_ =	shalt  }
0x5a: {  	_ =	shalt  }
0x5b: {  	_ =	shalt  }
0x5c: {  	_ =	shalt  }
0x5d: {  	_ =	shalt  }
0x5e: {  	_ =	shalt  }
0x5f: {  	_ =	shalt  }
0x60: {  	_ =	shalt  }
0x61: {  	_ =	shalt  }
0x62: {  	_ =	shalt  }
0x63: {  	_ =	shalt  }
0x64: {  	_ =	shalt  }
0x65: {  	_ =	shalt  }
0x66: {  	_ =	shalt  }
0x67: {  	_ =	shalt  }
0x68: {  	_ =	shalt  }
0x69: {  	_ =	shalt  }
0x6a: {  	_ =	shalt  }
0x6b: {  	_ =	shalt  }
0x6c: {  	_ =	shalt  }
0x6d: {  	_ =	shalt  }
0x6e: {  	_ =	shalt  }
0x6f: {  	_ =	shalt  }
0x70: {  	_ =	shalt  }
0x71: {  	_ =	shalt  }
0x72: {  	_ =	shalt  }
0x73: {  	_ =	shalt  }
0x74: {  	_ =	shalt  }
0x75: {  	_ =	shalt  }
0x76: {  	_ =	shalt  }
0x77: {  	_ =	shalt  }
0x78: {  	_ =	shalt  }
0x79: {  	_ =	shalt  }
0x7a: {  	_ =	shalt  }
0x7b: {  	_ =	shalt  }
0x7c: {  	_ =	shalt  }
0x7d: {  	_ =	shalt  }
0x7e: {  	_ =	shalt  }
0x7f: {  	_ =	shalt  }
0x80: {  	_ =	shalt  }
0x81: {  	_ =	shalt  }
0x82: {  	_ =	shalt  }
0x83: {  	_ =	shalt  }
0x84: {  	_ =	shalt  }
0x85: {  	_ =	shalt  }
0x86: {  	_ =	shalt  }
0x87: {  	_ =	shalt  }
.Lfunc_end0:
.L_simem_size_0:
called_computation.1_lowered:
.L_overlay_start_0:
0x88: {  	s2 =	sld [smem:$0x3FD9]  }
0x89: {  	s3 =	sld [smem:$0x3FFE];
	_ =	sdelay $0x1  }
0x8a: {  	s1 =	srdreg.scid  }
0x8b: {  	s0 =	sand.u32 $0x1, s1  }
0x8c: {  	s16 =	sshll.u32 s0, $0xA;
	s2 =	sadd.s32 s3, s2  }
0x8d: {  	s2 =	sadd.s32 s2, s16  }
0x8e: {  	[smem:$0x3FC6] =	sst s2  }
0x8f: {  	_ = 	snop  }
0x90: {  	(tm) =	ssettm $0x1  }
0x91: {  	s17 =	sld [smem:$0x3FFB];
	_ =	sdelay $0x3  }
0x92: {  	_ =	strace s17  }
0x93: {  	s2 =	sld [smem:$0x3FFC];
	_ =	sdelay $0x3  }
0x94: {  	_ =	strace s2  }
0x95: {  	s2 =	sld [smem:$0x3FFD];
	_ =	sdelay $0x3  }
0x96: {  	_ =	strace s2  }
0x97: {  	_ =	strace $0x8FFFFFFF  }
0x98: {  	s18 =	sld [smem:$0x3FDB];
	_ =	sdelay $0x1  }
0x99: {  	s19 =	simm.s32 $_scs_section_size  }
0x9a: {  	s4 =	simm.s32 $_size__tile_overlayer_lowered;
	s5 =	simm.s32 $_tile_overlayer_lowered  }
0x9b: {  	s22 =	simm.s32 $0x1BFF;
	s21 =	sshll.u32 s5, $0x1;
	s2 =	sadd.s32 s19, s18  }
0x9c: {  	s6 =	simm.s32 $0x0;
	s20 =	sshll.u32 s4, $0x1;
	s4 =	sadd.s32 s21, s2  }
0x9d: {  	[timem:s6], [sflag:s22] =	dma.local [hbm:s4], s20  }
0x9e: {  	_ =	swait.ge [sflag:s22], s20  }
0x9f: {  	s3 =	ssub.s32 $0x0, s20;
	[sflag:s22] =	ssyncset.done $0x0  }
0xa0: {  	[sflag:s22] =	ssyncadd.s32 s3;
	_ =	sdelay $0x1  }
0xa1: {  	s23 =	simm.s32 $0x1B8B  }
0xa2: {  	_ =	swait.ge [sflag:s23], $0x1  }
0xa3: {  	[sflag:s23] =	ssyncset.done $0x0  }
0xa4: {  	s25 =	simm.s32 $0x1B8E;
	s24 =	sld [smem:$0x3FFE];
	[sflag:s23] =	ssyncadd.s32 $0xFFFFFFFF  }
0xa5: {  	s26 =	simm.s32 $execute0_lowered;
	[smem:$0x3FD2] =	sst s25  }
0xa6: {  	s4 =	sshll.u32 s26, $0x1;
	_ =	strace $0x80000049;
	[dreg:$0x1] =	wrdreg $0xFFFFFFFF  }
0xa7: {  	s28 =	simm.s32 $_size_execute0_lowered;
	s2 =	sadd.s32 s2, s4;
	[dreg:$0x0] =	wrdreg $0x0  }
0xa8: {  	s4 =	sshll.u32 s28, $0x1;
	[dreg:$0x2] =	wrdreg s2  }
0xa9: {  	[dreg:$0x3] =	wrdreg s4  }
0xaa: {  	[dreg:$0x4] =	wrdreg $0xC0  }
0xab: {  	_ =	task [dreg:s6], $0x5FFFF  }
0xac: {  	[dreg:$0x1] =	wrdreg $0xFFFFFFFF  }
0xad: {  	[dreg:$0x0] =	wrdreg $0x60  }
0xae: {  	[dreg:$0x2] =	wrdreg s24  }
0xaf: {  	[dreg:$0x3] =	wrdreg $0x0  }
0xb0: {  	[dreg:$0x4] =	wrdreg $0x9  }
0xb1: {  	_ =	task.clear_ibuf [dreg:s6], $0x5FFFF;
	_ =	strace $0x90000049  }
0xb2: {  	s29 =	simm.s32 $0x9;
	_ =	strace $0x8000004B  }
0xb3: {  	_ =	swait.ge [sflag:s29], $0x1  }
0xb4: {  	[sflag:s29] =	ssyncadd.s32 $0xFFFFFFFF  }
0xb5: {  	_ =	strace $0x9000004B  }
0xb6: {  	_ =	sfence  }
0xb7: {  	s30 =	sld [smem:$0x0];
	_ =	sdelay $0x2  }
0xb8: {  	s31 =	sshll.u32 s1, $0xD;
	s1 =	sshrl.u32 s1, $0x2  }
0xb9: {  	s3 =	sand.u32 $0x4000, s31;
	s1 =	sadd.s32 s1, s30  }
0xba: {  	s0 =	sor.u32 s3, s0;
	s1 =	sshll.u32 s1, $0x11  }
0xbb: {  	s0 =	sor.u32 s1, s0  }
0xbc: {  	s0 =	sadd.s32 $0x8F2B, s0  }
0xbd: {  	[sflag:s0] =	ssyncadd.remote.s32 $0x1  }
0xbe: {  	_ =	sfence.sel $0xFFFF  }
0xbf: {  	[dreg:$0x0] =	wrdreg $0xFFFFFFFF;
	(pc) =	sbr.abs _section_cstart, $3  }
0xc0: {  	[dreg:$0x1] =	wrdreg $0xFFFFFFFF  }
0xc1: {  	_ =	task.clear_ibuf [dreg:s6], $0x2FFFF;
	_ =	strace $0x9FFFFFFF  }
0xc2: {  	(tm) =	ssettm $0x7FFFFFFF  }
0xc3: {  	_ =	shalt  }
tec
execute0_lowered:
.L_overlay_start_1:
0x0: {  	(tag) =	ssettag $0x1  }
0x1: {  	s5 =	rddreg [dreg:$0x0]  }
0x2: {  	s1 =	rddreg [dreg:$0x1]  }
0x3: {  	s2 =	srdreg.scid;
	s0 =	rddreg [dreg:$0x2]  }
0x4: {  	s3 =	simm.s32 $0x0;
	s13 =	simm.s32 $0x13C00;
	s14 =	simm.s32 $0x16400  }
0x5: {  	s15 =	simm.s32 $0x80;
	s16 =	simm.s32 $0x18C00;
	s6 =	sand.u32 $0x1, s2  }
0x6: {  	s17 =	simm.s32 $0x1;
	s2 =	stileid.u32;
	s7 =	smul.u32 $0x13C000, s6  }
0x7: {  	s18 =	simm.s32 $0x0;
	[smem:$0x7FF] =	sst s3;
	s8 =	smul.u32 $0x13C00, s2  }
0x8: {  	s4 =	sshll.u32 s2, $0x1;
	_ =	strace $0x8000004A;
	s28 =	smul.u32 $0x4F000, s2  }
0x9: {  	s31 =	sshll.u32 s2, $0x6;
	s9 =	sor.u32 s6, s4;
	s4 =	sadd.s32 $0x3EE00, s5  }
0xa: {  	s6 =	ssub.s32 $0x2, s6;
	s9 =	smul.u32 $0x500, s9;
	s7 =	sadd.s32 s8, s7  }
0xb: {  	s29 =	sshrl.u32 s6, $0x1;
	s30 =	sshrl.u32 s28, $0x2;
	s7 =	sshrl.u32 s7, $0x3  }
0xc: {  	s11 =	ssub.s32 s6, s29;
	s12 =	sadd.s32 s30, s1;
	s10 =	sadd.s32 s7, s5  }
0xd: {  	s6 =	sor.u32 $0x1C02, s31;
	s9 =	sadd.s32 s9, s5;
	s5 =	sadd.s32 $0x8DE00, s10  }
0xe: {  	s7 =	sadd.s32 $0x2AE00, s9;
	s8 =	sadd.s32 $0x34E00, s9;
	s9 =	sadd.s32 $0xDCE00, s10  }
0xf: {  	s10 =	smax.u32 s11, $0x1;
	s11 =	sshrl.u32 s12, $0x3;
	s12 =	simm.s32 $0x2  }
.LBB2_1:
0x10: {  	[spmem:s11], [sflag:s6] =	dma.local [hbm:s5], $0x2780  }
0x11: {  	_ =	swait.ge [sflag:s12], $0x2780  }
0x12: {  	[sflag:s12] =	ssyncset.done $0x0  }
0x13: {  	[sflag:s12] =	ssyncadd.s32 $0xFFFFD880  }
0x14: {  	[bflag:$0x0] =	sbarrier.arrive $0xFFFF  }
0x15: {  	[tilespmem:s13], [sflag:$0x2] =	stream.linear.gather [hbm4b:s7+s3], $0x2780, $0x38;
	[tilespmem:$0x1CC00] =	vst v63  }
0x16: {  	_ =	swait.ge [sflag:s12], $0x2780  }
0x17: {  	[sflag:s12] =	ssyncset.done $0x0  }
0x18: {  	[sflag:s12] =	ssyncadd.s32 $0xFFFFD880  }
0x19: {  	[tilespmem:s14], [sflag:$0x2] =	stream.linear.gather [hbm4b:s8+s3], $0x2780, $0x38;
	[tilespmem:$0x1CC00] =	vst v63  }
0x1a: {  	_ =	swait.ge [sflag:s12], $0x2780  }
0x1b: {  	[sflag:s12] =	ssyncset.done $0x0  }
0x1c: {  	s19 =	simm.s32 $0x13C00;
	[sflag:s12] =	ssyncadd.s32 $0xFFFFD880  }
0x1d: {  	[tilespmem:s16], [sflag:$0x1] =	stream.indirect.gather [hbm4b:s4+s15], $0x80, s19, s15, $0xb8;
	[tilespmem:$0x1CC00] =	vst v63  }
0x1e: {  	_ =	swait.ge [sflag:s17], $0x4000  }
0x1f: {  	[sflag:s17] =	ssyncset.done $0x0  }
0x20: {  	s31 =	simm.s32 $0x16400;
	[sflag:s17] =	ssyncadd.s32 $0xFFFFC000  }
0x21: {  	[spmem:s1] =	stream.indirect.scatter.add.f32 [tilespmem:s16], [sflag:$0x2], $0x80, s31, s15, $0xb8;
	[tilespmem:$0x1CC00] =	vst v63  }
0x22: {  	_ =	swait.ge [sflag:s12], $0x4000  }
0x23: {  	s20 =	simm.s32 $0x400;
	s19 =	simm.s32 $0x80;
	[sflag:s12] =	ssyncset.done $0x0  }
.LBB2_2:
0x24: {  	s21 =	sadd.s32 $0x13C00, s19  }
0x25: {  	[sflag:s12] =	ssyncadd.s32 $0xFFFFC000;
	s22 =	smov.u32 s20;
	s23 =	sadd.s32 $0x200, s20  }
0x26: {  	[tilespmem:s16], [sflag:$0x1] =	stream.indirect.gather [hbm4b:s4+s15], $0x80, s21, s15, $0xb8;
	[tilespmem:$0x1CC00] =	vst v63  }
0x27: {  	p0 =	sne.s32 s20, $0x9C00;
	_ =	swait.ge [sflag:s17], $0x4000  }
.Ltmp0:
0x28: {  	[sflag:s17] =	ssyncset.done $0x0;
	(pc) =	sbr.rel @p0 .LBB2_2-.Ltmp0, $4  }
0x29: {  	s19 =	sadd.s32 $0x16400, s19;
	[sflag:s17] =	ssyncadd.s32 $0xFFFFC000  }
0x2a: {  	[spmem:s1] =	stream.indirect.scatter.add.f32 [tilespmem:s16], [sflag:$0x2], $0x80, s19, s15, $0xb8;
	[tilespmem:$0x1CC00] =	vst v63  }
0x2b: {  	_ =	swait.ge [sflag:s12], $0x4000  }
0x2c: {  	s20 =	smov.u32 s23;
	s19 =	sshra.s32 s22, $0x2;
	[sflag:s12] =	ssyncset.done $0x0  }
0x2d: {  	s20 =	sadd.s32 $0x13C00, s19;
	[sflag:s12] =	ssyncadd.s32 $0xFFFFC000  }
0x2e: {  	[tilespmem:s16], [sflag:$0x1] =	stream.indirect.gather [hbm4b:s4+s15], $0x80, s20, s15, $0xb8;
	[tilespmem:$0x1CC00] =	vst v63  }
0x2f: {  	_ =	swait.ge [sflag:s17], $0x4000  }
0x30: {  	[sflag:s17] =	ssyncset.done $0x0  }
0x31: {  	s31 =	sadd.s32 $0x16400, s19;
	[sflag:s17] =	ssyncadd.s32 $0xFFFFC000  }
0x32: {  	[spmem:s1] =	stream.indirect.scatter.add.f32 [tilespmem:s16], [sflag:$0x2], $0x80, s31, s15, $0xb8;
	[tilespmem:$0x1CC00] =	vst v63  }
0x33: {  	_ =	swait.ge [sflag:s12], $0x4000  }
0x34: {  	s18 =	sadd.s32 $0x1, s18;
	[sflag:s12] =	ssyncset.done $0x0  }
0x35: {  	p0 =	sne.s32 s18, s10;
	[sflag:s12] =	ssyncadd.s32 $0xFFFFC000  }
.Ltmp1:
0x36: {  	[bflag:$0x0] =	sbarrier.arrive $0xFFFF;
	(pc) =	sbr.rel @p0 .LBB2_1-.Ltmp1, $4  }
0x37: {  	[hbm:s9], [sflag:s6] =	dma.local [spmem:s11], $0x2780  }
0x38: {  	_ =	swait.ge [sflag:s12], $0x2780  }
0x39: {  	[sflag:s12] =	ssyncset.done $0x0  }
0x3a: {  	[sflag:s12] =	ssyncadd.s32 $0xFFFFD880  }
0x3b: {  	_ =	sfence.sel $0x180000  }
0x3c: {  	[bflag:$0x0] =	sbarrier.arrive $0xFFFF  }
0x3d: {  	p0 =	sne.s32 s2, $0x0;
	_ =	strace $0x9000004A  }
0x3e: {  	s0 =	sadd.s32 @!p0 $0x100000, s0;
	[bflag:$0x2] =	sbarrier.arrive $0xFFFF  }
0x3f: {  	[sflag:s0] =	ssyncadd.tile.s32 @!p0 $0x1;
	_ =	shalt  }
.Lfunc_end2:
_tile_overlayer_lowered:
.L_overlay_start_2:
0x40: {  	(tag) =	ssettag $0x2  }
0x41: {  	s0 =	rddreg [dreg:$0x0];
	s2 =	stileid.u32  }
0x42: {  	s1 =	rddreg [dreg:$0x1];
	p0 =	sne.s32 s2, $0x0  }
0x43: {  	s3 =	rddreg [dreg:$0x2];
	[bflag:$0x3] =	sbarrier.arrive $0xFFFF;
	s2 =	simm.s32 @!p0 $0x1C02  }
0x44: {  	[timem:s3], [sflag:s2] =	dma.local @!p0 [hbm:s0], s1  }
0x45: {  	s0 =	simm.s32 @!p0 $0x2  }
0x46: {  	_ =	swait.ge @!p0 [sflag:s0], s1  }
0x47: {  	s1 =	ssub.s32 @!p0 $0x0, s1;
	[sflag:s0] =	ssyncset.done @!p0 $0x0  }
0x48: {  	[sflag:s0] =	ssyncadd.s32 @!p0 s1  }
0x49: {  	[bflag:$0x3] =	sbarrier.arrive $0xFFFF  }
0x4a: {  	_ =	shalt  }

// kernel: kernel.17.cloned.1.call-start
scs
__scs_entry_jumppad:
0x0: {  	(pc) =	sbr.rel $0x88, $3  }
0x1: {  	(tag) =	ssettag $0x0;
	lr =	simm.s32 $0x1  }
0x2: {  	[smem:$0x3F9F] =	sst lr;
	_ =	strace $0xD0000000  }
0x3: {  	_ = 	snop  }
0x4: {  	_ = 	snop  }
0x5: {  	_ = 	snop  }
0x6: {  	_ = 	snop  }
0x7: {  	_ = 	snop  }
__scs_overlays_trampoline_lowered:
0x8: {  	[smem:$0x3FAE] =	sst s0  }
0x9: {  	[smem:$0x3FAF] =	sst s1  }
0xa: {  	[smem:$0x3FB0] =	sst s2  }
0xb: {  	[smem:$0x3FB1] =	sst s3  }
0xc: {  	[smem:$0x3FB2] =	sst s4  }
0xd: {  	[smem:$0x3FB3] =	sst s5  }
0xe: {  	[smem:$0x3FB4] =	sst s6  }
0xf: {  	[smem:$0x3FB5] =	sst s7  }
0x10: {  	[smem:$0x3FB6] =	sst s8  }
0x11: {  	[smem:$0x3FB7] =	sst s9;
	s0 =	simm.s32 @!p0 $0x0  }
0x12: {  	s1 =	sld [smem:$0x3F9D];
	s0 =	simm.s32 @p0 $0x1  }
0x13: {  	[smem:$0x3FB8] =	sst s0;
	s0 =	simm.s32 @!p1 $0x0  }
0x14: {  	s2 =	sld [smem:$0x3F9C];
	s0 =	simm.s32 @p1 $0x1  }
0x15: {  	[smem:$0x3FB9] =	sst s0;
	s0 =	simm.s32 @!p2 $0x0  }
0x16: {  	s3 =	sld [smem:$0x3FDB];
	s0 =	simm.s32 @p2 $0x1  }
0x17: {  	s4 =	simm.s32 $0x1BF5;
	[smem:$0x3FBB] =	sst s0  }
0x18: {  	s0 =	sld [smem:$0x3F9E];
	_ =	swait.ge [sflag:s4], $0x0  }
0x19: {  	s7 =	sld [smem:$0x3F9F]  }
0x1a: {  	s8 =	sadd.s32 $0xFFFFE003, lr  }
0x1b: {  	s9 =	sadd.s32 $0xFFFFFEF7, lr;
	s5 =	simm.s32 $0xFFFFFFFF;
	p2 =	slt.u32 s8, $0xFFFFF086  }
0x1c: {  	p1 =	slt.u32 s9, $0xF7A;
	s5 =	simm.s32 @!p2 $0x0  }
0x1d: {  	s5 =	simm.s32 @p1 $0x1;
	p0 =	seq.s32 s7, s2  }
0x1e: {  	s7 =	smul.u32 @!p0 $0xF7A, s2;
	p2 =	seq.s32 @!p0 s5, $0x0  }
0x1f: {  	s9 =	smul.u32 $0xF7A, s1;
	s8 =	simm.s32 @!p0 $0x1BF5;
	p2 =	por !p2, p0  }
0x20: {  	[sflag:s8] =	ssyncset.s32 @!p0 $0xFFFFF086;
	s6 =	sadd.s32 @!p0 s3, s7;
	s7 =	simm.s32 @!p0 $0x108  }
0x21: {  	s3 =	sadd.s32 s3, s9;
	s6 =	sadd.s32 @!p0 $0x88, s6;
	s7 =	simm.s32 @p2 $0x1082  }
0x22: {  	[simem:s7], [sflag:s8] =	dma.local @!p0 [hbm:s6], $0xF7A  }
0x23: {  	s9 =	sor.u32 $0xD0000000, s2;
	s6 =	simm.s32 $0x108;
	_ =	swait.ge @!p0 [sflag:s8], $0x0  }
0x24: {  	s3 =	sadd.s32 $0x88, s3;
	s6 =	simm.s32 @!p1 $0x1082;
	[sflag:s4] =	ssyncset.s32 $0xFFFFF086  }
0x25: {  	[simem:s6], [sflag:s4] =	dma.local [hbm:s3], $0xF7A  }
0x26: {  	[smem:$0x3F9F] =	sst s1;
	(tag) =	ssettag s2;
	_ =	strace s9  }
0x27: {  	s1 =	sld [smem:$0x3FAF]  }
0x28: {  	s2 =	sld [smem:$0x3FB0]  }
0x29: {  	s4 =	sld [smem:$0x3FB2]  }
0x2a: {  	p0 =	seq.s32 s5, $0x0;
	s5 =	sld [smem:$0x3FB3]  }
0x2b: {  	s6 =	sld [smem:$0x3FB4]  }
0x2c: {  	s7 =	sld [smem:$0x3FB5]  }
0x2d: {  	s3 =	simm.s32 $0x108;
	s8 =	sld [smem:$0x3FB6]  }
0x2e: {  	s3 =	simm.s32 @!p0 $0x1082;
	s9 =	sld [smem:$0x3FB7]  }
0x2f: {  	lr =	sadd.s32 s0, s3;
	s0 =	sld [smem:$0x3FAE]  }
0x30: {  	s3 =	sld [smem:$0x3FB1]  }
0x31: {  	[smem:$0x3FBA] =	sst s10  }
0x32: {  	s10 =	sld [smem:$0x3FB8];
	_ =	sdelay $0x3  }
0x33: {  	p0 =	seq.s32 s10, $0x1;
	s10 =	sld [smem:$0x3FBA];
	_ =	sdelay $0x3  }
0x34: {  	[smem:$0x3FBA] =	sst s10  }
0x35: {  	s10 =	sld [smem:$0x3FB9];
	_ =	sdelay $0x3  }
0x36: {  	p1 =	seq.s32 s10, $0x1;
	s10 =	sld [smem:$0x3FBA];
	_ =	sdelay $0x3  }
0x37: {  	[smem:$0x3FBA] =	sst s10  }
0x38: {  	s10 =	sld [smem:$0x3FBB]  }
0x39: {  	_ = 	snop;
	(pc) =	sbr.ind lr, $3  }
0x3a: {  	_ = 	snop  }
0x3b: {  	_ = 	snop  }
0x3c: {  	p2 =	seq.s32 s10, $0x1;
	s10 =	sld [smem:$0x3FBA]  }
0x3d: {  	_ =	shalt  }
0x3e: {  	_ =	shalt  }
0x3f: {  	_ =	shalt  }
0x40: {  	_ =	shalt  }
0x41: {  	_ =	shalt  }
0x42: {  	_ =	shalt  }
0x43: {  	_ =	shalt  }
0x44: {  	_ =	shalt  }
0x45: {  	_ =	shalt  }
0x46: {  	_ =	shalt  }
0x47: {  	_ =	shalt  }
0x48: {  	_ =	shalt  }
0x49: {  	_ =	shalt  }
0x4a: {  	_ =	shalt  }
0x4b: {  	_ =	shalt  }
0x4c: {  	_ =	shalt  }
0x4d: {  	_ =	shalt  }
0x4e: {  	_ =	shalt  }
0x4f: {  	_ =	shalt  }
0x50: {  	_ =	shalt  }
0x51: {  	_ =	shalt  }
0x52: {  	_ =	shalt  }
0x53: {  	_ =	shalt  }
0x54: {  	_ =	shalt  }
0x55: {  	_ =	shalt  }
0x56: {  	_ =	shalt  }
0x57: {  	_ =	shalt  }
0x58: {  	_ =	shalt  }
0x59: {  	_ =	shalt  }
0x5a: {  	_ =	shalt  }
0x5b: {  	_ =	shalt  }
0x5c: {  	_ =	shalt  }
0x5d: {  	_ =	shalt  }
0x5e: {  	_ =	shalt  }
0x5f: {  	_ =	shalt  }
0x60: {  	_ =	shalt  }
0x61: {  	_ =	shalt  }
0x62: {  	_ =	shalt  }
0x63: {  	_ =	shalt  }
0x64: {  	_ =	shalt  }
0x65: {  	_ =	shalt  }
0x66: {  	_ =	shalt  }
0x67: {  	_ =	shalt  }
0x68: {  	_ =	shalt  }
0x69: {  	_ =	shalt  }
0x6a: {  	_ =	shalt  }
0x6b: {  	_ =	shalt  }
0x6c: {  	_ =	shalt  }
0x6d: {  	_ =	shalt  }
0x6e: {  	_ =	shalt  }
0x6f: {  	_ =	shalt  }
0x70: {  	_ =	shalt  }
0x71: {  	_ =	shalt  }
0x72: {  	_ =	shalt  }
0x73: {  	_ =	shalt  }
0x74: {  	_ =	shalt  }
0x75: {  	_ =	shalt  }
0x76: {  	_ =	shalt  }
0x77: {  	_ =	shalt  }
0x78: {  	_ =	shalt  }
0x79: {  	_ =	shalt  }
0x7a: {  	_ =	shalt  }
0x7b: {  	_ =	shalt  }
0x7c: {  	_ =	shalt  }
0x7d: {  	_ =	shalt  }
0x7e: {  	_ =	shalt  }
0x7f: {  	_ =	shalt  }
0x80: {  	_ =	shalt  }
0x81: {  	_ =	shalt  }
0x82: {  	_ =	shalt  }
0x83: {  	_ =	shalt  }
0x84: {  	_ =	shalt  }
0x85: {  	_ =	shalt  }
0x86: {  	_ =	shalt  }
0x87: {  	_ =	shalt  }
.Lfunc_end0:
.L_simem_size_0:
called_computation.2_lowered:
.L_overlay_start_0:
0x88: {  	s2 =	sld [smem:$0x3FD9]  }
0x89: {  	s3 =	sld [smem:$0x3FFE];
	_ =	sdelay $0x1  }
0x8a: {  	s1 =	srdreg.scid  }
0x8b: {  	s0 =	sand.u32 $0x1, s1  }
0x8c: {  	s17 =	sshll.u32 s0, $0xA;
	s2 =	sadd.s32 s3, s2  }
0x8d: {  	s2 =	sadd.s32 s2, s17  }
0x8e: {  	[smem:$0x3FC6] =	sst s2  }
0x8f: {  	_ = 	snop  }
0x90: {  	s2 =	sld [smem:$0x3FD0];
	(tm) =	ssettm $0x1  }
0x91: {  	s18 =	sld [smem:$0x3FFB];
	_ =	sdelay $0x3  }
0x92: {  	_ =	strace s18  }
0x93: {  	s3 =	sld [smem:$0x3FFC];
	_ =	sdelay $0x3  }
0x94: {  	_ =	strace s3  }
0x95: {  	s3 =	sld [smem:$0x3FFD];
	_ =	sdelay $0x3  }
0x96: {  	_ =	strace s3  }
0x97: {  	_ =	strace $0x8FFFFFFF  }
0x98: {  	s19 =	sld [smem:$0x3FDB];
	_ =	sdelay $0x1  }
0x99: {  	s4 =	simm.s32 $_scs_section_size  }
0x9a: {  	s5 =	simm.s32 $_size__tile_overlayer_lowered;
	s6 =	simm.s32 $_tile_overlayer_lowered  }
0x9b: {  	s22 =	simm.s32 $0x1BFF;
	s21 =	sshll.u32 s6, $0x1;
	s3 =	sadd.s32 s4, s19  }
0x9c: {  	s7 =	simm.s32 $0x0;
	s20 =	sshll.u32 s5, $0x1;
	s5 =	sadd.s32 s21, s3  }
0x9d: {  	[timem:s7], [sflag:s22] =	dma.local [hbm:s5], s20  }
0x9e: {  	_ =	swait.ge [sflag:s22], s20  }
0x9f: {  	s4 =	ssub.s32 $0x0, s20;
	[sflag:s22] =	ssyncset.done $0x0  }
0xa0: {  	[sflag:s22] =	ssyncadd.s32 s4;
	_ =	sdelay $0x1  }
0xa1: {  	s23 =	simm.s32 $0x1B8B  }
0xa2: {  	_ =	swait.ge [sflag:s23], $0x1  }
0xa3: {  	[sflag:s23] =	ssyncset.done $0x0  }
0xa4: {  	s25 =	simm.s32 $0x1B8E;
	s24 =	sld [smem:$0x3FFE];
	[sflag:s23] =	ssyncadd.s32 $0xFFFFFFFF  }
0xa5: {  	s26 =	simm.s32 $execute0_lowered;
	[smem:$0x3FD2] =	sst s25  }
0xa6: {  	s5 =	sshll.u32 s26, $0x1;
	_ =	strace $0x8000004C;
	[dreg:$0x1] =	wrdreg $0xFFFFFFFF  }
0xa7: {  	s28 =	simm.s32 $_size_execute0_lowered;
	s3 =	sadd.s32 s3, s5;
	[dreg:$0x0] =	wrdreg $0x0  }
0xa8: {  	s5 =	sshll.u32 s28, $0x1;
	[dreg:$0x2] =	wrdreg s3  }
0xa9: {  	[dreg:$0x3] =	wrdreg s5  }
0xaa: {  	[dreg:$0x4] =	wrdreg $0xC0  }
0xab: {  	_ =	task [dreg:s7], $0x5FFFF  }
0xac: {  	[dreg:$0x1] =	wrdreg $0xFFFFFFFF  }
0xad: {  	[dreg:$0x0] =	wrdreg $0x60  }
0xae: {  	[dreg:$0x2] =	wrdreg s24  }
0xaf: {  	[dreg:$0x3] =	wrdreg s2  }
0xb0: {  	[dreg:$0x4] =	wrdreg $0x0  }
0xb1: {  	[dreg:$0x5] =	wrdreg $0x9  }
0xb2: {  	_ =	task.clear_ibuf [dreg:s7], $0x6FFFF;
	_ =	strace $0x9000004C  }
0xb3: {  	s29 =	simm.s32 $0x9;
	_ =	strace $0x8000004E  }
0xb4: {  	_ =	swait.ge [sflag:s29], $0x1  }
0xb5: {  	[sflag:s29] =	ssyncadd.s32 $0xFFFFFFFF  }
0xb6: {  	_ =	strace $0x9000004E  }
0xb7: {  	_ =	sfence  }
0xb8: {  	s30 =	sld [smem:$0x0];
	_ =	sdelay $0x2  }
0xb9: {  	s31 =	sshll.u32 s1, $0xD;
	s1 =	sshrl.u32 s1, $0x2  }
0xba: {  	s3 =	sand.u32 $0x4000, s31;
	s1 =	sadd.s32 s1, s30  }
0xbb: {  	s0 =	sor.u32 s3, s0;
	s1 =	sshll.u32 s1, $0x11  }
0xbc: {  	s0 =	sor.u32 s1, s0  }
0xbd: {  	s0 =	sadd.s32 $0x8F2B, s0  }
0xbe: {  	[sflag:s0] =	ssyncadd.remote.s32 $0x1  }
0xbf: {  	_ =	sfence.sel $0xFFFF  }
0xc0: {  	[dreg:$0x0] =	wrdreg $0xFFFFFFFF;
	(pc) =	sbr.abs _section_cstart, $3  }
0xc1: {  	[dreg:$0x1] =	wrdreg $0xFFFFFFFF  }
0xc2: {  	_ =	task.clear_ibuf [dreg:s7], $0x2FFFF;
	_ =	strace $0x9FFFFFFF  }
0xc3: {  	(tm) =	ssettm $0x7FFFFFFF  }
tec
execute0_lowered:
.L_overlay_start_1:
0x0: {  	(tag) =	ssettag $0x1  }
0x1: {  	s5 =	rddreg [dreg:$0x0]  }
0x2: {  	s6 =	rddreg [dreg:$0x1]  }
0x3: {  	s1 =	rddreg [dreg:$0x2]  }
0x4: {  	s2 =	srdreg.scid;
	s0 =	rddreg [dreg:$0x3]  }
0x5: {  	s3 =	simm.s32 $0x0;
	s14 =	simm.s32 $0x16400;
	s15 =	simm.s32 $0x80  }
0x6: {  	s16 =	simm.s32 $0x18C00;
	s17 =	simm.s32 $0x1;
	s7 =	sand.u32 $0x1, s2  }
0x7: {  	s18 =	simm.s32 $0x0;
	s2 =	stileid.u32;
	s8 =	smul.u32 $0x13C000, s7  }
0x8: {  	[smem:$0x7FF] =	sst s3;
	s4 =	sshll.u32 s2, $0x1;
	s9 =	smul.u32 $0x13C00, s2  }
0x9: {  	_ =	strace $0x8000004D;
	s28 =	smul.u32 $0x4F000, s2;
	s31 =	sshll.u32 s2, $0x6  }
0xa: {  	s10 =	sor.u32 s7, s4;
	s4 =	sadd.s32 $0x66600, s5;
	s7 =	ssub.s32 $0x2, s7  }
0xb: {  	s10 =	smul.u32 $0x500, s10;
	s8 =	sadd.s32 s9, s8;
	s29 =	sshrl.u32 s7, $0x1  }
0xc: {  	s30 =	sshrl.u32 s28, $0x2;
	s8 =	sshrl.u32 s8, $0x3;
	s12 =	ssub.s32 s7, s29  }
0xd: {  	s13 =	sadd.s32 s30, s1;
	s10 =	sadd.s32 s10, s5;
	s11 =	sadd.s32 s8, s5  }
0xe: {  	s5 =	sadd.s32 s6, s8;
	s6 =	sor.u32 $0x1C02, s31;
	s7 =	sadd.s32 $0x2AE00, s10  }
0xf: {  	s8 =	sadd.s32 $0x34E00, s10;
	s9 =	sadd.s32 $0x8DE00, s11;
	s10 =	smax.u32 s12, $0x1  }
0x10: {  	s11 =	sshrl.u32 s13, $0x3;
	s12 =	simm.s32 $0x2;
	s13 =	simm.s32 $0x13C00  }
.LBB2_1:
0x11: {  	[spmem:s11], [sflag:s6] =	dma.local [hbm:s5], $0x2780  }
0x12: {  	_ =	swait.ge [sflag:s12], $0x2780  }
0x13: {  	[sflag:s12] =	ssyncset.done $0x0  }
0x14: {  	[sflag:s12] =	ssyncadd.s32 $0xFFFFD880  }
0x15: {  	[bflag:$0x0] =	sbarrier.arrive $0xFFFF  }
0x16: {  	[tilespmem:s13], [sflag:$0x2] =	stream.linear.gather [hbm4b:s7+s3], $0x2780, $0x38;
	[tilespmem:$0x1CC00] =	vst v63  }
0x17: {  	_ =	swait.ge [sflag:s12], $0x2780  }
0x18: {  	[sflag:s12] =	ssyncset.done $0x0  }
0x19: {  	[sflag:s12] =	ssyncadd.s32 $0xFFFFD880  }
0x1a: {  	[tilespmem:s14], [sflag:$0x2] =	stream.linear.gather [hbm4b:s8+s3], $0x2780, $0x38;
	[tilespmem:$0x1CC00] =	vst v63  }
0x1b: {  	_ =	swait.ge [sflag:s12], $0x2780  }
0x1c: {  	[sflag:s12] =	ssyncset.done $0x0  }
0x1d: {  	s19 =	simm.s32 $0x13C00;
	[sflag:s12] =	ssyncadd.s32 $0xFFFFD880  }
0x1e: {  	[tilespmem:s16], [sflag:$0x1] =	stream.indirect.gather [hbm4b:s4+s15], $0x80, s19, s15, $0xb8;
	[tilespmem:$0x1CC00] =	vst v63  }
0x1f: {  	_ =	swait.ge [sflag:s17], $0x4000  }
0x20: {  	[sflag:s17] =	ssyncset.done $0x0  }
0x21: {  	s31 =	simm.s32 $0x16400;
	[sflag:s17] =	ssyncadd.s32 $0xFFFFC000  }
0x22: {  	[spmem:s1] =	stream.indirect.scatter.add.f32 [tilespmem:s16], [sflag:$0x2], $0x80, s31, s15, $0xb8;
	[tilespmem:$0x1CC00] =	vst v63  }
0x23: {  	_ =	swait.ge [sflag:s12], $0x4000  }
0x24: {  	s20 =	simm.s32 $0x400;
	s19 =	simm.s32 $0x80;
	[sflag:s12] =	ssyncset.done $0x0  }
.LBB2_2:
0x25: {  	s21 =	sadd.s32 $0x13C00, s19  }
0x26: {  	[sflag:s12] =	ssyncadd.s32 $0xFFFFC000;
	s22 =	smov.u32 s20;
	s23 =	sadd.s32 $0x200, s20  }
0x27: {  	[tilespmem:s16], [sflag:$0x1] =	stream.indirect.gather [hbm4b:s4+s15], $0x80, s21, s15, $0xb8;
	[tilespmem:$0x1CC00] =	vst v63  }
0x28: {  	p0 =	sne.s32 s20, $0x9C00;
	_ =	swait.ge [sflag:s17], $0x4000  }
.Ltmp0:
0x29: {  	[sflag:s17] =	ssyncset.done $0x0;
	(pc) =	sbr.rel @p0 .LBB2_2-.Ltmp0, $4  }
0x2a: {  	s19 =	sadd.s32 $0x16400, s19;
	[sflag:s17] =	ssyncadd.s32 $0xFFFFC000  }
0x2b: {  	[spmem:s1] =	stream.indirect.scatter.add.f32 [tilespmem:s16], [sflag:$0x2], $0x80, s19, s15, $0xb8;
	[tilespmem:$0x1CC00] =	vst v63  }
0x2c: {  	_ =	swait.ge [sflag:s12], $0x4000  }
0x2d: {  	s20 =	smov.u32 s23;
	s19 =	sshra.s32 s22, $0x2;
	[sflag:s12] =	ssyncset.done $0x0  }
0x2e: {  	s20 =	sadd.s32 $0x13C00, s19;
	[sflag:s12] =	ssyncadd.s32 $0xFFFFC000  }
0x2f: {  	[tilespmem:s16], [sflag:$0x1] =	stream.indirect.gather [hbm4b:s4+s15], $0x80, s20, s15, $0xb8;
	[tilespmem:$0x1CC00] =	vst v63  }
0x30: {  	_ =	swait.ge [sflag:s17], $0x4000  }
0x31: {  	[sflag:s17] =	ssyncset.done $0x0  }
0x32: {  	s31 =	sadd.s32 $0x16400, s19;
	[sflag:s17] =	ssyncadd.s32 $0xFFFFC000  }
0x33: {  	[spmem:s1] =	stream.indirect.scatter.add.f32 [tilespmem:s16], [sflag:$0x2], $0x80, s31, s15, $0xb8;
	[tilespmem:$0x1CC00] =	vst v63  }
0x34: {  	_ =	swait.ge [sflag:s12], $0x4000  }
0x35: {  	s18 =	sadd.s32 $0x1, s18;
	[sflag:s12] =	ssyncset.done $0x0  }
0x36: {  	p0 =	sne.s32 s18, s10;
	[sflag:s12] =	ssyncadd.s32 $0xFFFFC000  }
.Ltmp1:
0x37: {  	[bflag:$0x0] =	sbarrier.arrive $0xFFFF;
	(pc) =	sbr.rel @p0 .LBB2_1-.Ltmp1, $4  }
0x38: {  	[hbm:s9], [sflag:s6] =	dma.local [spmem:s11], $0x2780  }
0x39: {  	_ =	swait.ge [sflag:s12], $0x2780  }
0x3a: {  	[sflag:s12] =	ssyncset.done $0x0  }
0x3b: {  	[sflag:s12] =	ssyncadd.s32 $0xFFFFD880  }
0x3c: {  	_ =	sfence.sel $0x180000  }
0x3d: {  	[bflag:$0x0] =	sbarrier.arrive $0xFFFF  }
0x3e: {  	p0 =	sne.s32 s2, $0x0;
	_ =	strace $0x9000004D  }
0x3f: {  	s0 =	sadd.s32 @!p0 $0x100000, s0;
	[bflag:$0x2] =	sbarrier.arrive $0xFFFF  }
0x40: {  	[sflag:s0] =	ssyncadd.tile.s32 @!p0 $0x1;
	_ =	shalt  }
.Lfunc_end2:
_tile_overlayer_lowered:
.L_overlay_start_2:
0x41: {  	(tag) =	ssettag $0x2  }
0x42: {  	s0 =	rddreg [dreg:$0x0];
	s2 =	stileid.u32  }
0x43: {  	s1 =	rddreg [dreg:$0x1];
	p0 =	sne.s32 s2, $0x0  }
0x44: {  	s3 =	rddreg [dreg:$0x2];
	[bflag:$0x3] =	sbarrier.arrive $0xFFFF;
	s2 =	simm.s32 @!p0 $0x1C02  }
0x45: {  	[timem:s3], [sflag:s2] =	dma.local @!p0 [hbm:s0], s1  }
0x46: {  	s0 =	simm.s32 @!p0 $0x2  }
0x47: {  	_ =	swait.ge @!p0 [sflag:s0], s1  }
0x48: {  	s1 =	ssub.s32 @!p0 $0x0, s1;
	[sflag:s0] =	ssyncset.done @!p0 $0x0  }
0x49: {  	[sflag:s0] =	ssyncadd.s32 @!p0 s1  }
0x4a: {  	[bflag:$0x3] =	sbarrier.arrive $0xFFFF  }
0x4b: {  	_ =	shalt  }

// kernel: kernel.9.cloned.1.call-start
scs
__scs_entry_jumppad:
0x0: {  	(pc) =	sbr.rel $0x88, $3  }
0x1: {  	(tag) =	ssettag $0x0;
	lr =	simm.s32 $0x1  }
0x2: {  	[smem:$0x3F9F] =	sst lr;
	_ =	strace $0xD0000000  }
0x3: {  	_ = 	snop  }
0x4: {  	_ = 	snop  }
0x5: {  	_ = 	snop  }
0x6: {  	_ = 	snop  }
0x7: {  	_ = 	snop  }
__scs_overlays_trampoline_lowered:
0x8: {  	[smem:$0x3FAE] =	sst s0  }
0x9: {  	[smem:$0x3FAF] =	sst s1  }
0xa: {  	[smem:$0x3FB0] =	sst s2  }
0xb: {  	[smem:$0x3FB1] =	sst s3  }
0xc: {  	[smem:$0x3FB2] =	sst s4  }
0xd: {  	[smem:$0x3FB3] =	sst s5  }
0xe: {  	[smem:$0x3FB4] =	sst s6  }
0xf: {  	[smem:$0x3FB5] =	sst s7  }
0x10: {  	[smem:$0x3FB6] =	sst s8  }
0x11: {  	[smem:$0x3FB7] =	sst s9;
	s0 =	simm.s32 @!p0 $0x0  }
0x12: {  	s1 =	sld [smem:$0x3F9D];
	s0 =	simm.s32 @p0 $0x1  }
0x13: {  	[smem:$0x3FB8] =	sst s0;
	s0 =	simm.s32 @!p1 $0x0  }
0x14: {  	s2 =	sld [smem:$0x3F9C];
	s0 =	simm.s32 @p1 $0x1  }
0x15: {  	[smem:$0x3FB9] =	sst s0;
	s0 =	simm.s32 @!p2 $0x0  }
0x16: {  	s3 =	sld [smem:$0x3FDB];
	s0 =	simm.s32 @p2 $0x1  }
0x17: {  	s4 =	simm.s32 $0x1BF5;
	[smem:$0x3FBB] =	sst s0  }
0x18: {  	s0 =	sld [smem:$0x3F9E];
	_ =	swait.ge [sflag:s4], $0x0  }
0x19: {  	s7 =	sld [smem:$0x3F9F]  }
0x1a: {  	s8 =	sadd.s32 $0xFFFFE003, lr  }
0x1b: {  	s9 =	sadd.s32 $0xFFFFFEF7, lr;
	s5 =	simm.s32 $0xFFFFFFFF;
	p2 =	slt.u32 s8, $0xFFFFF086  }
0x1c: {  	p1 =	slt.u32 s9, $0xF7A;
	s5 =	simm.s32 @!p2 $0x0  }
0x1d: {  	s5 =	simm.s32 @p1 $0x1;
	p0 =	seq.s32 s7, s2  }
0x1e: {  	s7 =	smul.u32 @!p0 $0xF7A, s2;
	p2 =	seq.s32 @!p0 s5, $0x0  }
0x1f: {  	s9 =	smul.u32 $0xF7A, s1;
	s8 =	simm.s32 @!p0 $0x1BF5;
	p2 =	por !p2, p0  }
0x20: {  	[sflag:s8] =	ssyncset.s32 @!p0 $0xFFFFF086;
	s6 =	sadd.s32 @!p0 s3, s7;
	s7 =	simm.s32 @!p0 $0x108  }
0x21: {  	s3 =	sadd.s32 s3, s9;
	s6 =	sadd.s32 @!p0 $0x88, s6;
	s7 =	simm.s32 @p2 $0x1082  }
0x22: {  	[simem:s7], [sflag:s8] =	dma.local @!p0 [hbm:s6], $0xF7A  }
0x23: {  	s9 =	sor.u32 $0xD0000000, s2;
	s6 =	simm.s32 $0x108;
	_ =	swait.ge @!p0 [sflag:s8], $0x0  }
0x24: {  	s3 =	sadd.s32 $0x88, s3;
	s6 =	simm.s32 @!p1 $0x1082;
	[sflag:s4] =	ssyncset.s32 $0xFFFFF086  }
0x25: {  	[simem:s6], [sflag:s4] =	dma.local [hbm:s3], $0xF7A  }
0x26: {  	[smem:$0x3F9F] =	sst s1;
	(tag) =	ssettag s2;
	_ =	strace s9  }
0x27: {  	s1 =	sld [smem:$0x3FAF]  }
0x28: {  	s2 =	sld [smem:$0x3FB0]  }
0x29: {  	s4 =	sld [smem:$0x3FB2]  }
0x2a: {  	p0 =	seq.s32 s5, $0x0;
	s5 =	sld [smem:$0x3FB3]  }
0x2b: {  	s6 =	sld [smem:$0x3FB4]  }
0x2c: {  	s7 =	sld [smem:$0x3FB5]  }
0x2d: {  	s3 =	simm.s32 $0x108;
	s8 =	sld [smem:$0x3FB6]  }
0x2e: {  	s3 =	simm.s32 @!p0 $0x1082;
	s9 =	sld [smem:$0x3FB7]  }
0x2f: {  	lr =	sadd.s32 s0, s3;
	s0 =	sld [smem:$0x3FAE]  }
0x30: {  	s3 =	sld [smem:$0x3FB1]  }
0x31: {  	[smem:$0x3FBA] =	sst s10  }
0x32: {  	s10 =	sld [smem:$0x3FB8];
	_ =	sdelay $0x3  }
0x33: {  	p0 =	seq.s32 s10, $0x1;
	s10 =	sld [smem:$0x3FBA];
	_ =	sdelay $0x3  }
0x34: {  	[smem:$0x3FBA] =	sst s10  }
0x35: {  	s10 =	sld [smem:$0x3FB9];
	_ =	sdelay $0x3  }
0x36: {  	p1 =	seq.s32 s10, $0x1;
	s10 =	sld [smem:$0x3FBA];
	_ =	sdelay $0x3  }
0x37: {  	[smem:$0x3FBA] =	sst s10  }
0x38: {  	s10 =	sld [smem:$0x3FBB]  }
0x39: {  	_ = 	snop;
	(pc) =	sbr.ind lr, $3  }
0x3a: {  	_ = 	snop  }
0x3b: {  	_ = 	snop  }
0x3c: {  	p2 =	seq.s32 s10, $0x1;
	s10 =	sld [smem:$0x3FBA]  }
0x3d: {  	_ =	shalt  }
0x3e: {  	_ =	shalt  }
0x3f: {  	_ =	shalt  }
0x40: {  	_ =	shalt  }
0x41: {  	_ =	shalt  }
0x42: {  	_ =	shalt  }
0x43: {  	_ =	shalt  }
0x44: {  	_ =	shalt  }
0x45: {  	_ =	shalt  }
0x46: {  	_ =	shalt  }
0x47: {  	_ =	shalt  }
0x48: {  	_ =	shalt  }
0x49: {  	_ =	shalt  }
0x4a: {  	_ =	shalt  }
0x4b: {  	_ =	shalt  }
0x4c: {  	_ =	shalt  }
0x4d: {  	_ =	shalt  }
0x4e: {  	_ =	shalt  }
0x4f: {  	_ =	shalt  }
0x50: {  	_ =	shalt  }
0x51: {  	_ =	shalt  }
0x52: {  	_ =	shalt  }
0x53: {  	_ =	shalt  }
0x54: {  	_ =	shalt  }
0x55: {  	_ =	shalt  }
0x56: {  	_ =	shalt  }
0x57: {  	_ =	shalt  }
0x58: {  	_ =	shalt  }
0x59: {  	_ =	shalt  }
0x5a: {  	_ =	shalt  }
0x5b: {  	_ =	shalt  }
0x5c: {  	_ =	shalt  }
0x5d: {  	_ =	shalt  }
0x5e: {  	_ =	shalt  }
0x5f: {  	_ =	shalt  }
0x60: {  	_ =	shalt  }
0x61: {  	_ =	shalt  }
0x62: {  	_ =	shalt  }
0x63: {  	_ =	shalt  }
0x64: {  	_ =	shalt  }
0x65: {  	_ =	shalt  }
0x66: {  	_ =	shalt  }
0x67: {  	_ =	shalt  }
0x68: {  	_ =	shalt  }
0x69: {  	_ =	shalt  }
0x6a: {  	_ =	shalt  }
0x6b: {  	_ =	shalt  }
0x6c: {  	_ =	shalt  }
0x6d: {  	_ =	shalt  }
0x6e: {  	_ =	shalt  }
0x6f: {  	_ =	shalt  }
0x70: {  	_ =	shalt  }
0x71: {  	_ =	shalt  }
0x72: {  	_ =	shalt  }
0x73: {  	_ =	shalt  }
0x74: {  	_ =	shalt  }
0x75: {  	_ =	shalt  }
0x76: {  	_ =	shalt  }
0x77: {  	_ =	shalt  }
0x78: {  	_ =	shalt  }
0x79: {  	_ =	shalt  }
0x7a: {  	_ =	shalt  }
0x7b: {  	_ =	shalt  }
0x7c: {  	_ =	shalt  }
0x7d: {  	_ =	shalt  }
0x7e: {  	_ =	shalt  }
0x7f: {  	_ =	shalt  }
0x80: {  	_ =	shalt  }
0x81: {  	_ =	shalt  }
0x82: {  	_ =	shalt  }
0x83: {  	_ =	shalt  }
0x84: {  	_ =	shalt  }
0x85: {  	_ =	shalt  }
0x86: {  	_ =	shalt  }
0x87: {  	_ =	shalt  }
.Lfunc_end0:
.L_simem_size_0:
called_computation_lowered:
.L_overlay_start_0:
0x88: {  	s2 =	sld [smem:$0x3FD9]  }
0x89: {  	s3 =	sld [smem:$0x3FFE];
	_ =	sdelay $0x1  }
0x8a: {  	s1 =	srdreg.scid  }
0x8b: {  	s0 =	sand.u32 $0x1, s1  }
0x8c: {  	s17 =	sshll.u32 s0, $0xA;
	s2 =	sadd.s32 s3, s2  }
0x8d: {  	s2 =	sadd.s32 s2, s17  }
0x8e: {  	[smem:$0x3FC6] =	sst s2  }
0x8f: {  	_ = 	snop  }
0x90: {  	s2 =	sld [smem:$0x3FD0];
	(tm) =	ssettm $0x1  }
0x91: {  	s18 =	sld [smem:$0x3FFB];
	_ =	sdelay $0x3  }
0x92: {  	_ =	strace s18  }
0x93: {  	s3 =	sld [smem:$0x3FFC];
	_ =	sdelay $0x3  }
0x94: {  	_ =	strace s3  }
0x95: {  	s3 =	sld [smem:$0x3FFD];
	_ =	sdelay $0x3  }
0x96: {  	_ =	strace s3  }
0x97: {  	_ =	strace $0x8FFFFFFF  }
0x98: {  	s19 =	sld [smem:$0x3FDB];
	_ =	sdelay $0x1  }
0x99: {  	s4 =	simm.s32 $_scs_section_size  }
0x9a: {  	s5 =	simm.s32 $_size__tile_overlayer_lowered;
	s6 =	simm.s32 $_tile_overlayer_lowered  }
0x9b: {  	s22 =	simm.s32 $0x1BFF;
	s21 =	sshll.u32 s6, $0x1;
	s3 =	sadd.s32 s4, s19  }
0x9c: {  	s7 =	simm.s32 $0x0;
	s20 =	sshll.u32 s5, $0x1;
	s5 =	sadd.s32 s21, s3  }
0x9d: {  	[timem:s7], [sflag:s22] =	dma.local [hbm:s5], s20  }
0x9e: {  	_ =	swait.ge [sflag:s22], s20  }
0x9f: {  	s4 =	ssub.s32 $0x0, s20;
	[sflag:s22] =	ssyncset.done $0x0  }
0xa0: {  	[sflag:s22] =	ssyncadd.s32 s4;
	_ =	sdelay $0x1  }
0xa1: {  	s23 =	simm.s32 $0x1B8B  }
0xa2: {  	_ =	swait.ge [sflag:s23], $0x1  }
0xa3: {  	[sflag:s23] =	ssyncset.done $0x0  }
0xa4: {  	s25 =	simm.s32 $0x1B8E;
	s24 =	sld [smem:$0x3FFE];
	[sflag:s23] =	ssyncadd.s32 $0xFFFFFFFF  }
0xa5: {  	s26 =	simm.s32 $execute0_lowered;
	[smem:$0x3FD2] =	sst s25  }
0xa6: {  	s5 =	sshll.u32 s26, $0x1;
	_ =	strace $0x80000046;
	[dreg:$0x1] =	wrdreg $0xFFFFFFFF  }
0xa7: {  	s28 =	simm.s32 $_size_execute0_lowered;
	s3 =	sadd.s32 s3, s5;
	[dreg:$0x0] =	wrdreg $0x0  }
0xa8: {  	s5 =	sshll.u32 s28, $0x1;
	[dreg:$0x2] =	wrdreg s3  }
0xa9: {  	[dreg:$0x3] =	wrdreg s5  }
0xaa: {  	[dreg:$0x4] =	wrdreg $0xC0  }
0xab: {  	_ =	task [dreg:s7], $0x5FFFF  }
0xac: {  	[dreg:$0x1] =	wrdreg $0xFFFFFFFF  }
0xad: {  	[dreg:$0x0] =	wrdreg $0x60  }
0xae: {  	[dreg:$0x2] =	wrdreg s24  }
0xaf: {  	[dreg:$0x3] =	wrdreg s2  }
0xb0: {  	[dreg:$0x4] =	wrdreg $0x0  }
0xb1: {  	[dreg:$0x5] =	wrdreg $0x9  }
0xb2: {  	_ =	task.clear_ibuf [dreg:s7], $0x6FFFF;
	_ =	strace $0x90000046  }
0xb3: {  	s29 =	simm.s32 $0x9;
	_ =	strace $0x80000048  }
0xb4: {  	_ =	swait.ge [sflag:s29], $0x1  }
0xb5: {  	[sflag:s29] =	ssyncadd.s32 $0xFFFFFFFF  }
0xb6: {  	_ =	strace $0x90000048  }
0xb7: {  	_ =	sfence  }
0xb8: {  	s30 =	sld [smem:$0x0];
	_ =	sdelay $0x2  }
0xb9: {  	s31 =	sshll.u32 s1, $0xD;
	s1 =	sshrl.u32 s1, $0x2  }
0xba: {  	s3 =	sand.u32 $0x4000, s31;
	s1 =	sadd.s32 s1, s30  }
0xbb: {  	s0 =	sor.u32 s3, s0;
	s1 =	sshll.u32 s1, $0x11  }
0xbc: {  	s0 =	sor.u32 s1, s0  }
0xbd: {  	s0 =	sadd.s32 $0x8F2B, s0  }
0xbe: {  	[sflag:s0] =	ssyncadd.remote.s32 $0x1  }
0xbf: {  	_ =	sfence.sel $0xFFFF  }
0xc0: {  	[dreg:$0x0] =	wrdreg $0xFFFFFFFF;
	(pc) =	sbr.abs _section_cstart, $3  }
0xc1: {  	[dreg:$0x1] =	wrdreg $0xFFFFFFFF  }
0xc2: {  	_ =	task.clear_ibuf [dreg:s7], $0x2FFFF;
	_ =	strace $0x9FFFFFFF  }
0xc3: {  	(tm) =	ssettm $0x7FFFFFFF  }
tec
execute0_lowered:
.L_overlay_start_1:
0x0: {  	(tag) =	ssettag $0x1  }
0x1: {  	s5 =	rddreg [dreg:$0x0]  }
0x2: {  	s6 =	rddreg [dreg:$0x1]  }
0x3: {  	s1 =	rddreg [dreg:$0x2]  }
0x4: {  	s2 =	srdreg.scid;
	s0 =	rddreg [dreg:$0x3]  }
0x5: {  	s3 =	simm.s32 $0x0;
	s14 =	simm.s32 $0x16400;
	s15 =	simm.s32 $0x80  }
0x6: {  	s16 =	simm.s32 $0x18C00;
	s17 =	simm.s32 $0x1;
	s7 =	sand.u32 $0x1, s2  }
0x7: {  	s18 =	simm.s32 $0x0;
	s2 =	stileid.u32;
	s8 =	smul.u32 $0x13C000, s7  }
0x8: {  	[smem:$0x7FF] =	sst s3;
	s4 =	sshll.u32 s2, $0x1;
	s9 =	smul.u32 $0x13C00, s2  }
0x9: {  	_ =	strace $0x80000047;
	s28 =	smul.u32 $0x4F000, s2;
	s31 =	sshll.u32 s2, $0x6  }
0xa: {  	s10 =	sor.u32 s7, s4;
	s4 =	sadd.s32 $0x3600, s5;
	s7 =	ssub.s32 $0x2, s7  }
0xb: {  	s10 =	smul.u32 $0x500, s10;
	s8 =	sadd.s32 s9, s8;
	s29 =	sshrl.u32 s7, $0x1  }
0xc: {  	s30 =	sshrl.u32 s28, $0x2;
	s8 =	sshrl.u32 s8, $0x3;
	s12 =	ssub.s32 s7, s29  }
0xd: {  	s13 =	sadd.s32 s30, s1;
	s10 =	sadd.s32 s10, s5;
	s11 =	sadd.s32 s8, s5  }
0xe: {  	s5 =	sadd.s32 s6, s8;
	s6 =	sor.u32 $0x1C02, s31;
	s7 =	sadd.s32 $0x2AE00, s10  }
0xf: {  	s8 =	sadd.s32 $0x34E00, s10;
	s9 =	sadd.s32 $0x3EE00, s11;
	s10 =	smax.u32 s12, $0x1  }
0x10: {  	s11 =	sshrl.u32 s13, $0x3;
	s12 =	simm.s32 $0x2;
	s13 =	simm.s32 $0x13C00  }
.LBB2_1:
0x11: {  	[spmem:s11], [sflag:s6] =	dma.local [hbm:s5], $0x2780  }
0x12: {  	_ =	swait.ge [sflag:s12], $0x2780  }
0x13: {  	[sflag:s12] =	ssyncset.done $0x0  }
0x14: {  	[sflag:s12] =	ssyncadd.s32 $0xFFFFD880  }
0x15: {  	[bflag:$0x0] =	sbarrier.arrive $0xFFFF  }
0x16: {  	[tilespmem:s13], [sflag:$0x2] =	stream.linear.gather [hbm4b:s7+s3], $0x2780, $0x38;
	[tilespmem:$0x1CC00] =	vst v63  }
0x17: {  	_ =	swait.ge [sflag:s12], $0x2780  }
0x18: {  	[sflag:s12] =	ssyncset.done $0x0  }
0x19: {  	[sflag:s12] =	ssyncadd.s32 $0xFFFFD880  }
0x1a: {  	[tilespmem:s14], [sflag:$0x2] =	stream.linear.gather [hbm4b:s8+s3], $0x2780, $0x38;
	[tilespmem:$0x1CC00] =	vst v63  }
0x1b: {  	_ =	swait.ge [sflag:s12], $0x2780  }
0x1c: {  	[sflag:s12] =	ssyncset.done $0x0  }
0x1d: {  	s19 =	simm.s32 $0x13C00;
	[sflag:s12] =	ssyncadd.s32 $0xFFFFD880  }
0x1e: {  	[tilespmem:s16], [sflag:$0x1] =	stream.indirect.gather [hbm4b:s4+s15], $0x80, s19, s15, $0xb8;
	[tilespmem:$0x1CC00] =	vst v63  }
0x1f: {  	_ =	swait.ge [sflag:s17], $0x4000  }
0x20: {  	[sflag:s17] =	ssyncset.done $0x0  }
0x21: {  	s31 =	simm.s32 $0x16400;
	[sflag:s17] =	ssyncadd.s32 $0xFFFFC000  }
0x22: {  	[spmem:s1] =	stream.indirect.scatter.add.f32 [tilespmem:s16], [sflag:$0x2], $0x80, s31, s15, $0xb8;
	[tilespmem:$0x1CC00] =	vst v63  }
0x23: {  	_ =	swait.ge [sflag:s12], $0x4000  }
0x24: {  	s20 =	simm.s32 $0x400;
	s19 =	simm.s32 $0x80;
	[sflag:s12] =	ssyncset.done $0x0  }
.LBB2_2:
0x25: {  	s21 =	sadd.s32 $0x13C00, s19  }
0x26: {  	[sflag:s12] =	ssyncadd.s32 $0xFFFFC000;
	s22 =	smov.u32 s20;
	s23 =	sadd.s32 $0x200, s20  }
0x27: {  	[tilespmem:s16], [sflag:$0x1] =	stream.indirect.gather [hbm4b:s4+s15], $0x80, s21, s15, $0xb8;
	[tilespmem:$0x1CC00] =	vst v63  }
0x28: {  	p0 =	sne.s32 s20, $0x9C00;
	_ =	swait.ge [sflag:s17], $0x4000  }
.Ltmp0:
0x29: {  	[sflag:s17] =	ssyncset.done $0x0;
	(pc) =	sbr.rel @p0 .LBB2_2-.Ltmp0, $4  }
0x2a: {  	s19 =	sadd.s32 $0x16400, s19;
	[sflag:s17] =	ssyncadd.s32 $0xFFFFC000  }
0x2b: {  	[spmem:s1] =	stream.indirect.scatter.add.f32 [tilespmem:s16], [sflag:$0x2], $0x80, s19, s15, $0xb8;
	[tilespmem:$0x1CC00] =	vst v63  }
0x2c: {  	_ =	swait.ge [sflag:s12], $0x4000  }
0x2d: {  	s20 =	smov.u32 s23;
	s19 =	sshra.s32 s22, $0x2;
	[sflag:s12] =	ssyncset.done $0x0  }
0x2e: {  	s20 =	sadd.s32 $0x13C00, s19;
	[sflag:s12] =	ssyncadd.s32 $0xFFFFC000  }
0x2f: {  	[tilespmem:s16], [sflag:$0x1] =	stream.indirect.gather [hbm4b:s4+s15], $0x80, s20, s15, $0xb8;
	[tilespmem:$0x1CC00] =	vst v63  }
0x30: {  	_ =	swait.ge [sflag:s17], $0x4000  }
0x31: {  	[sflag:s17] =	ssyncset.done $0x0  }
0x32: {  	s31 =	sadd.s32 $0x16400, s19;
	[sflag:s17] =	ssyncadd.s32 $0xFFFFC000  }
0x33: {  	[spmem:s1] =	stream.indirect.scatter.add.f32 [tilespmem:s16], [sflag:$0x2], $0x80, s31, s15, $0xb8;
	[tilespmem:$0x1CC00] =	vst v63  }
0x34: {  	_ =	swait.ge [sflag:s12], $0x4000  }
0x35: {  	s18 =	sadd.s32 $0x1, s18;
	[sflag:s12] =	ssyncset.done $0x0  }
0x36: {  	p0 =	sne.s32 s18, s10;
	[sflag:s12] =	ssyncadd.s32 $0xFFFFC000  }
.Ltmp1:
0x37: {  	[bflag:$0x0] =	sbarrier.arrive $0xFFFF;
	(pc) =	sbr.rel @p0 .LBB2_1-.Ltmp1, $4  }
0x38: {  	[hbm:s9], [sflag:s6] =	dma.local [spmem:s11], $0x2780  }
0x39: {  	_ =	swait.ge [sflag:s12], $0x2780  }
0x3a: {  	[sflag:s12] =	ssyncset.done $0x0  }
0x3b: {  	[sflag:s12] =	ssyncadd.s32 $0xFFFFD880  }
0x3c: {  	_ =	sfence.sel $0x180000  }
0x3d: {  	[bflag:$0x0] =	sbarrier.arrive $0xFFFF  }
0x3e: {  	p0 =	sne.s32 s2, $0x0;
	_ =	strace $0x90000047  }
0x3f: {  	s0 =	sadd.s32 @!p0 $0x100000, s0;
	[bflag:$0x2] =	sbarrier.arrive $0xFFFF  }
0x40: {  	[sflag:s0] =	ssyncadd.tile.s32 @!p0 $0x1;
	_ =	shalt  }
.Lfunc_end2:
_tile_overlayer_lowered:
.L_overlay_start_2:
0x41: {  	(tag) =	ssettag $0x2  }
0x42: {  	s0 =	rddreg [dreg:$0x0];
	s2 =	stileid.u32  }
0x43: {  	s1 =	rddreg [dreg:$0x1];
	p0 =	sne.s32 s2, $0x0  }
0x44: {  	s3 =	rddreg [dreg:$0x2];
	[bflag:$0x3] =	sbarrier.arrive $0xFFFF;
	s2 =	simm.s32 @!p0 $0x1C02  }
0x45: {  	[timem:s3], [sflag:s2] =	dma.local @!p0 [hbm:s0], s1  }
0x46: {  	s0 =	simm.s32 @!p0 $0x2  }
0x47: {  	_ =	swait.ge @!p0 [sflag:s0], s1  }
0x48: {  	s1 =	ssub.s32 @!p0 $0x0, s1;
	[sflag:s0] =	ssyncset.done @!p0 $0x0  }
0x49: {  	[sflag:s0] =	ssyncadd.s32 @!p0 s1  }
0x4a: {  	[bflag:$0x3] =	sbarrier.arrive $0xFFFF  }
0x4b: {  	_ =	shalt  }

</sc_bundles>
